<compile_context>
chip_gen: v7x
topology: tpu7x:2x2x1
jax: 0.10.2.dev20260603
libtpu: 0.0.44.dev20260713+nightly
codegen_flags: <defaults>
</compile_context>

<pallas_src>
import functools

import jax
import jax.numpy as jnp
from jax import lax
from jax.experimental import pallas as pl
from jax.experimental.pallas import tpu as pltpu
from jax.experimental.pallas import tpu_sc as plsc

_L = 16
_NC = 2
_NS = 16
_NW = _NC * _NS


def _body(n_rows, n_cols, prob_t_hbm, tgt_hbm, rwd_hbm, out_hbm,
          tgt_v, rwd_v, vals_v, acc_v, sem):
    wid = lax.axis_index("s") * _NC + lax.axis_index("c")
    chunk = n_rows // _NW
    base = wid * chunk
    lane = lax.iota(jnp.int32, _L)

    pltpu.sync_copy(tgt_hbm.at[pl.ds(base, chunk)], tgt_v.at[pl.ds(0, chunk)])
    pltpu.sync_copy(rwd_hbm.at[pl.ds(base, chunk)], rwd_v)

    def fire(j, carry):
        t = tgt_v[pl.ds(j, _L)][0]
        pltpu.async_copy(
            prob_t_hbm.at[pl.ds(t, 1),
                          pl.ds(base + (j // 128) * 128, 128)],
            vals_v.at[pl.ds(j, 1), :], sem)
        return carry
    lax.fori_loop(0, chunk, fire, 0, unroll=8)

    pltpu.make_async_copy(
        prob_t_hbm.at[pl.ds(0, chunk), pl.ds(0, 128)], vals_v, sem).wait()

    acc = jnp.zeros((_L,), jnp.float32)
    for g in range(chunk // _L):
        col = (g % 8) * _L + lane
        v = plsc.load_gather(vals_v, [g * _L + lane, col])
        acc = acc + v * rwd_v[pl.ds(g * _L, _L)]

    acc_v[...] = acc
    pltpu.sync_copy(acc_v, out_hbm.at[pl.ds(wid * _L, _L)])


def kernel(prob, target, reward):
    n_rows, n_cols = prob.shape
    prob_t = prob.T
    tgt = target.astype(jnp.int32)
    chunk = n_rows // _NW

    mesh = plsc.VectorSubcoreMesh(core_axis_name="c", subcore_axis_name="s")
    kern = pl.kernel(
        functools.partial(_body, n_rows, n_cols),
        out_type=jax.ShapeDtypeStruct((_NW * _L,), jnp.float32),
        mesh=mesh,
        compiler_params=pltpu.CompilerParams(needs_layout_passes=False),
        scratch_types=[
            pltpu.VMEM((chunk + _L,), jnp.int32),
            pltpu.VMEM((chunk,), jnp.float32),
            pltpu.VMEM((chunk, 128), jnp.float32),
            pltpu.VMEM((_L,), jnp.float32),
            pltpu.SemaphoreType.DMA,
        ],
    )
    partials = kern(prob_t, tgt, reward)
    return -jnp.sum(partials) / n_rows

# --- scband reference (transcript-rebuilt; emitter-appended) ---
"""Pipeline reference for scband-ganloss-7541962572282 (READ-ONLY COPY).

The authoritative reference and input builder live on the scoring server;
editing this copy changes nothing except your own understanding.
"""

import jax, jax.numpy as jnp
import numpy as np


def setup_inputs(seed: int = 0) -> dict:
    key = jax.random.key(seed)
    k1, k2, k3 = jax.random.split(key, 3)
    N, C = 16384, 1000
    prob = jax.random.normal(k1, (N, C), dtype=jnp.float32)
    target = jax.random.randint(k2, (N,), 0, C, dtype=jnp.int64)
    reward = jax.random.uniform(k3, (N,), dtype=jnp.float32)
    return {"prob": prob, "target": target, "reward": reward}


def reference(prob, target, reward):
    # masked_select with a one-hot mask over dim 1 is equivalent to gathering
    # prob[i, target[i]] for each row i (one True per row, row-major order).
    gathered = jnp.take_along_axis(prob, target.reshape(-1, 1), axis=1).squeeze(-1)  # (N,)
    loss = gathered * reward
    loss = -jnp.sum(loss) / loss.shape[0]
    return loss

if __name__ == "__main__":
    import jax
    _d = setup_inputs()
    print(jax.jit(kernel)(*tuple(_d.values())))

</pallas_src>

<mosaic_0001>
#map = affine_map<(d0, d1) -> (0, 0)>
#map1 = affine_map<(d0, d1) -> (0)>
module attributes {stable_mosaic.version = 14 : i64} {
  func.func @_body(%arg0: i32, %arg1: i32, %arg2: memref<1000x16384xf32, #tpu.memory_space<hbm>>, %arg3: memref<16384xi32, #tpu.memory_space<hbm>>, %arg4: memref<16384xf32, #tpu.memory_space<hbm>>, %arg5: memref<512xf32, #tpu.memory_space<hbm>>, %arg6: memref<528xi32, #tpu.memory_space<vmem>>, %arg7: memref<512xf32, #tpu.memory_space<vmem>>, %arg8: memref<512x128xf32, #tpu.memory_space<vmem>>, %arg9: memref<16xf32, #tpu.memory_space<vmem>>, %arg10: memref<!tpu.dma_semaphore, #tpu.memory_space<semaphore_mem>>) attributes {dimension_semantics = [#tpu.dimension_semantics<core_parallel>, #tpu.dimension_semantics<subcore_parallel>], iteration_bounds = array<i64: 2, 16>, scalar_prefetch = 0 : i64, scratch_operands = 5 : i64, tpu.core_type = #tpu.core_type<sc_vector_subcore>, window_params = [{transform_indices = #map}, {transform_indices = #map1}, {transform_indices = #map1}, {transform_indices = #map1}]} {
    %mul3A = arith.constant 2 : i32
    %mul3A_0 = arith.muli %arg1, %mul3A : i32
    %add3A = arith.addi %mul3A_0, %arg0 : i32
    %mul3A_1 = arith.constant 512 : i32
    %mul3A_2 = arith.muli %add3A, %mul3A_1 : i32
    %iota3A = tpu.iota {dimensions = array<i32: 0>} : vector<16xi32>
    "tpu.region"() ({
      %run_scoped3A = tpu.sem_alloc : memref<!tpu.dma_semaphore, #tpu.memory_space<semaphore_mem>>
      %dma_start3A = arith.constant 0 : i32
      %dma_start3A_367 = tpu.memref_slice %arg6[%dma_start3A] : memref<528xi32, #tpu.memory_space<vmem>> -> memref<512xi32, #tpu.memory_space<vmem>>
      %dma_start3A_368 = tpu.memref_slice %arg3[%mul3A_2] : memref<16384xi32, #tpu.memory_space<hbm>> -> memref<512xi32, #tpu.memory_space<hbm>>
      %dma_start3A_369 = arith.constant 0 : i32
      %dma_start3A_370 = tpu.memref_slice %arg6[%dma_start3A_369] : memref<528xi32, #tpu.memory_space<vmem>> -> memref<512xi32, #tpu.memory_space<vmem>>
      %dma_start3A_371 = tpu.memref_slice %arg3[%mul3A_2] : memref<16384xi32, #tpu.memory_space<hbm>> -> memref<512xi32, #tpu.memory_space<hbm>>
      tpu.enqueue_dma source(%dma_start3A_371 : memref<512xi32, #tpu.memory_space<hbm>>) target(%dma_start3A_370 : memref<512xi32, #tpu.memory_space<vmem>>) target_semaphore(%run_scoped3A : memref<!tpu.dma_semaphore, #tpu.memory_space<semaphore_mem>>)
      %dma_wait3A_372 = arith.constant 0 : i32
      %dma_wait3A_373 = tpu.memref_slice %arg6[%dma_wait3A_372] : memref<528xi32, #tpu.memory_space<vmem>> -> memref<512xi32, #tpu.memory_space<vmem>>
      %dma_wait3A_374 = tpu.memref_slice %arg3[%mul3A_2] : memref<16384xi32, #tpu.memory_space<hbm>> -> memref<512xi32, #tpu.memory_space<hbm>>
      %dma_wait3A_375 = arith.constant 0 : i32
      %dma_wait3A_376 = tpu.memref_slice %arg6[%dma_wait3A_375] : memref<528xi32, #tpu.memory_space<vmem>> -> memref<512xi32, #tpu.memory_space<vmem>>
      %dma_wait3A_377 = tpu.memref_slice %arg3[%mul3A_2] : memref<16384xi32, #tpu.memory_space<hbm>> -> memref<512xi32, #tpu.memory_space<hbm>>
      tpu.wait_dma2 semaphore(%run_scoped3A : memref<!tpu.dma_semaphore, #tpu.memory_space<semaphore_mem>>) src(%dma_wait3A_377 : memref<512xi32, #tpu.memory_space<hbm>>) dst(%dma_wait3A_376 : memref<512xi32, #tpu.memory_space<vmem>>)
      tpu.yield
    }) : () -> ()
    "tpu.region"() ({
      %run_scoped3A = tpu.sem_alloc : memref<!tpu.dma_semaphore, #tpu.memory_space<semaphore_mem>>
      %dma_start3A = tpu.memref_slice %arg4[%mul3A_2] : memref<16384xf32, #tpu.memory_space<hbm>> -> memref<512xf32, #tpu.memory_space<hbm>>
      %dma_start3A_367 = tpu.memref_slice %arg4[%mul3A_2] : memref<16384xf32, #tpu.memory_space<hbm>> -> memref<512xf32, #tpu.memory_space<hbm>>
      tpu.enqueue_dma source(%dma_start3A_367 : memref<512xf32, #tpu.memory_space<hbm>>) target(%arg7 : memref<512xf32, #tpu.memory_space<vmem>>) target_semaphore(%run_scoped3A : memref<!tpu.dma_semaphore, #tpu.memory_space<semaphore_mem>>)
      %dma_wait3A_368 = tpu.memref_slice %arg4[%mul3A_2] : memref<16384xf32, #tpu.memory_space<hbm>> -> memref<512xf32, #tpu.memory_space<hbm>>
      %dma_wait3A_369 = tpu.memref_slice %arg4[%mul3A_2] : memref<16384xf32, #tpu.memory_space<hbm>> -> memref<512xf32, #tpu.memory_space<hbm>>
      tpu.wait_dma2 semaphore(%run_scoped3A : memref<!tpu.dma_semaphore, #tpu.memory_space<semaphore_mem>>) src(%dma_wait3A_369 : memref<512xf32, #tpu.memory_space<hbm>>) dst(%arg7 : memref<512xf32, #tpu.memory_space<vmem>>)
      tpu.yield
    }) : () -> ()
    %scan3A = arith.constant 0 : i32
    %scan3A_3 = arith.constant 0 : i32
    %scan3A_4 = arith.constant 512 : i32
    %scan3A_5 = arith.addi %scan3A_3, %scan3A_4 : i32
    %scan3A_6 = arith.constant 8 : i32
    scf.for %scan3A_367 = %scan3A_3 to %scan3A_5 step %scan3A_6  : i32 {
      %get3A_368 = arith.index_cast %scan3A_367 : i32 to index
      %get3A_369 = tpu.vector_load %arg6[%get3A_368] {strides = array<i32>} : memref<528xi32, #tpu.memory_space<vmem>>, vector<16xi32>,
      %slice3A = vector.extract_strided_slice %get3A_369 {offsets = [0], sizes = [1], strides = [1]} : vector<16xi32> to vector<1xi32>
      %squeeze3A = vector.extract %slice3A[0] : i32 from vector<1xi32>
      %jit3A = arith.constant 128 : i32
      %div3A = arith.divsi %scan3A_367, %jit3A : i32
      %sign3A = arith.constant 0 : i32
      %sign3A_370 = arith.cmpi sgt, %scan3A_367, %sign3A : i32
      %sign3A_371 = arith.extui %sign3A_370 : i1 to i32
      %sign3A_372 = arith.constant 0 : i32
      %sign3A_373 = arith.cmpi slt, %scan3A_367, %sign3A_372 : i32
      %sign3A_374 = arith.extui %sign3A_373 : i1 to i32
      %sign3A_375 = arith.subi %sign3A_371, %sign3A_374 : i32
      %sign3A_376 = arith.constant 0 : i32
      %sign3A_377 = arith.cmpi sgt, %jit3A, %sign3A_376 : i32
      %sign3A_378 = arith.extui %sign3A_377 : i1 to i32
      %sign3A_379 = arith.constant 0 : i32
      %sign3A_380 = arith.cmpi slt, %jit3A, %sign3A_379 : i32
      %sign3A_381 = arith.extui %sign3A_380 : i1 to i32
      %sign3A_382 = arith.subi %sign3A_378, %sign3A_381 : i32
      %ne3A = arith.cmpi ne, %sign3A_375, %sign3A_382 : i32
      %rem3A = arith.remsi %scan3A_367, %jit3A : i32
      %ne3A_383 = arith.constant 0 : i32
      %ne3A_384 = arith.cmpi ne, %rem3A, %ne3A_383 : i32
      %and3A = arith.andi %ne3A, %ne3A_384 : i1
      %sub3A = arith.constant 1 : i32
      %sub3A_385 = arith.subi %div3A, %sub3A : i32
      %select_n3A = arith.select %and3A, %sub3A_385, %div3A : i32
      %mul3A_386 = arith.constant 128 : i32
      %mul3A_387 = arith.muli %select_n3A, %mul3A_386 : i32
      %add3A_388 = arith.addi %mul3A_2, %mul3A_387 : i32
      %dma_start3A = arith.constant 0 : i32
      %dma_start3A_389 = tpu.memref_slice %arg8[%scan3A_367, %dma_start3A] : memref<512x128xf32, #tpu.memory_space<vmem>> -> memref<1x128xf32, #tpu.memory_space<vmem>>
      %dma_start3A_390 = tpu.memref_slice %arg2[%squeeze3A, %add3A_388] : memref<1000x16384xf32, #tpu.memory_space<hbm>> -> memref<1x128xf32, #tpu.memory_space<hbm>>
      %dma_start3A_391 = arith.constant 0 : i32
      %dma_start3A_392 = tpu.memref_slice %arg8[%scan3A_367, %dma_start3A_391] : memref<512x128xf32, #tpu.memory_space<vmem>> -> memref<1x128xf32, #tpu.memory_space<vmem>>
      %dma_start3A_393 = tpu.memref_slice %arg2[%squeeze3A, %add3A_388] : memref<1000x16384xf32, #tpu.memory_space<hbm>> -> memref<1x128xf32, #tpu.memory_space<hbm>>
      tpu.enqueue_dma source(%dma_start3A_393 : memref<1x128xf32, #tpu.memory_space<hbm>>) target(%dma_start3A_392 : memref<1x128xf32, #tpu.memory_space<vmem>>) target_semaphore(%arg10 : memref<!tpu.dma_semaphore, #tpu.memory_space<semaphore_mem>>)
      %scan3A_394 = arith.constant 1 : i32
      %scan3A_395 = arith.addi %scan3A_367, %scan3A_394 : i32
      %get3A_396 = arith.index_cast %scan3A_395 : i32 to index
      %get3A_397 = tpu.vector_load %arg6[%get3A_396] {strides = array<i32>} : memref<528xi32, #tpu.memory_space<vmem>>, vector<16xi32>,
      %slice3A_398 = vector.extract_strided_slice %get3A_397 {offsets = [0], sizes = [1], strides = [1]} : vector<16xi32> to vector<1xi32>
      %squeeze3A_399 = vector.extract %slice3A_398[0] : i32 from vector<1xi32>
      %jit3A_400 = arith.constant 128 : i32
      %div3A_401 = arith.divsi %scan3A_395, %jit3A_400 : i32
      %sign3A_402 = arith.constant 0 : i32
      %sign3A_403 = arith.cmpi sgt, %scan3A_395, %sign3A_402 : i32
      %sign3A_404 = arith.extui %sign3A_403 : i1 to i32
      %sign3A_405 = arith.constant 0 : i32
      %sign3A_406 = arith.cmpi slt, %scan3A_395, %sign3A_405 : i32
      %sign3A_407 = arith.extui %sign3A_406 : i1 to i32
      %sign3A_408 = arith.subi %sign3A_404, %sign3A_407 : i32
      %sign3A_409 = arith.constant 0 : i32
      %sign3A_410 = arith.cmpi sgt, %jit3A_400, %sign3A_409 : i32
      %sign3A_411 = arith.extui %sign3A_410 : i1 to i32
      %sign3A_412 = arith.constant 0 : i32
      %sign3A_413 = arith.cmpi slt, %jit3A_400, %sign3A_412 : i32
      %sign3A_414 = arith.extui %sign3A_413 : i1 to i32
      %sign3A_415 = arith.subi %sign3A_411, %sign3A_414 : i32
      %ne3A_416 = arith.cmpi ne, %sign3A_408, %sign3A_415 : i32
      %rem3A_417 = arith.remsi %scan3A_395, %jit3A_400 : i32
      %ne3A_418 = arith.constant 0 : i32
      %ne3A_419 = arith.cmpi ne, %rem3A_417, %ne3A_418 : i32
      %and3A_420 = arith.andi %ne3A_416, %ne3A_419 : i1
      %sub3A_421 = arith.constant 1 : i32
      %sub3A_422 = arith.subi %div3A_401, %sub3A_421 : i32
      %select_n3A_423 = arith.select %and3A_420, %sub3A_422, %div3A_401 : i32
      %mul3A_424 = arith.constant 128 : i32
      %mul3A_425 = arith.muli %select_n3A_423, %mul3A_424 : i32
      %add3A_426 = arith.addi %mul3A_2, %mul3A_425 : i32
      %dma_start3A_427 = arith.constant 0 : i32
      %dma_start3A_428 = tpu.memref_slice %arg8[%scan3A_395, %dma_start3A_427] : memref<512x128xf32, #tpu.memory_space<vmem>> -> memref<1x128xf32, #tpu.memory_space<vmem>>
      %dma_start3A_429 = tpu.memref_slice %arg2[%squeeze3A_399, %add3A_426] : memref<1000x16384xf32, #tpu.memory_space<hbm>> -> memref<1x128xf32, #tpu.memory_space<hbm>>
      %dma_start3A_430 = arith.constant 0 : i32
      %dma_start3A_431 = tpu.memref_slice %arg8[%scan3A_395, %dma_start3A_430] : memref<512x128xf32, #tpu.memory_space<vmem>> -> memref<1x128xf32, #tpu.memory_space<vmem>>
      %dma_start3A_432 = tpu.memref_slice %arg2[%squeeze3A_399, %add3A_426] : memref<1000x16384xf32, #tpu.memory_space<hbm>> -> memref<1x128xf32, #tpu.memory_space<hbm>>
      tpu.enqueue_dma source(%dma_start3A_432 : memref<1x128xf32, #tpu.memory_space<hbm>>) target(%dma_start3A_431 : memref<1x128xf32, #tpu.memory_space<vmem>>) target_semaphore(%arg10 : memref<!tpu.dma_semaphore, #tpu.memory_space<semaphore_mem>>)
      %scan3A_433 = arith.constant 2 : i32
      %scan3A_434 = arith.addi %scan3A_367, %scan3A_433 : i32
      %get3A_435 = arith.index_cast %scan3A_434 : i32 to index
      %get3A_436 = tpu.vector_load %arg6[%get3A_435] {strides = array<i32>} : memref<528xi32, #tpu.memory_space<vmem>>, vector<16xi32>,
      %slice3A_437 = vector.extract_strided_slice %get3A_436 {offsets = [0], sizes = [1], strides = [1]} : vector<16xi32> to vector<1xi32>
      %squeeze3A_438 = vector.extract %slice3A_437[0] : i32 from vector<1xi32>
      %jit3A_439 = arith.constant 128 : i32
      %div3A_440 = arith.divsi %scan3A_434, %jit3A_439 : i32
      %sign3A_441 = arith.constant 0 : i32
      %sign3A_442 = arith.cmpi sgt, %scan3A_434, %sign3A_441 : i32
      %sign3A_443 = arith.extui %sign3A_442 : i1 to i32
      %sign3A_444 = arith.constant 0 : i32
      %sign3A_445 = arith.cmpi slt, %scan3A_434, %sign3A_444 : i32
      %sign3A_446 = arith.extui %sign3A_445 : i1 to i32
      %sign3A_447 = arith.subi %sign3A_443, %sign3A_446 : i32
      %sign3A_448 = arith.constant 0 : i32
      %sign3A_449 = arith.cmpi sgt, %jit3A_439, %sign3A_448 : i32
      %sign3A_450 = arith.extui %sign3A_449 : i1 to i32
      %sign3A_451 = arith.constant 0 : i32
      %sign3A_452 = arith.cmpi slt, %jit3A_439, %sign3A_451 : i32
      %sign3A_453 = arith.extui %sign3A_452 : i1 to i32
      %sign3A_454 = arith.subi %sign3A_450, %sign3A_453 : i32
      %ne3A_455 = arith.cmpi ne, %sign3A_447, %sign3A_454 : i32
      %rem3A_456 = arith.remsi %scan3A_434, %jit3A_439 : i32
      %ne3A_457 = arith.constant 0 : i32
      %ne3A_458 = arith.cmpi ne, %rem3A_456, %ne3A_457 : i32
      %and3A_459 = arith.andi %ne3A_455, %ne3A_458 : i1
      %sub3A_460 = arith.constant 1 : i32
      %sub3A_461 = arith.subi %div3A_440, %sub3A_460 : i32
      %select_n3A_462 = arith.select %and3A_459, %sub3A_461, %div3A_440 : i32
      %mul3A_463 = arith.constant 128 : i32
      %mul3A_464 = arith.muli %select_n3A_462, %mul3A_463 : i32
      %add3A_465 = arith.addi %mul3A_2, %mul3A_464 : i32
      %dma_start3A_466 = arith.constant 0 : i32
      %dma_start3A_467 = tpu.memref_slice %arg8[%scan3A_434, %dma_start3A_466] : memref<512x128xf32, #tpu.memory_space<vmem>> -> memref<1x128xf32, #tpu.memory_space<vmem>>
      %dma_start3A_468 = tpu.memref_slice %arg2[%squeeze3A_438, %add3A_465] : memref<1000x16384xf32, #tpu.memory_space<hbm>> -> memref<1x128xf32, #tpu.memory_space<hbm>>
      %dma_start3A_469 = arith.constant 0 : i32
      %dma_start3A_470 = tpu.memref_slice %arg8[%scan3A_434, %dma_start3A_469] : memref<512x128xf32, #tpu.memory_space<vmem>> -> memref<1x128xf32, #tpu.memory_space<vmem>>
      %dma_start3A_471 = tpu.memref_slice %arg2[%squeeze3A_438, %add3A_465] : memref<1000x16384xf32, #tpu.memory_space<hbm>> -> memref<1x128xf32, #tpu.memory_space<hbm>>
      tpu.enqueue_dma source(%dma_start3A_471 : memref<1x128xf32, #tpu.memory_space<hbm>>) target(%dma_start3A_470 : memref<1x128xf32, #tpu.memory_space<vmem>>) target_semaphore(%arg10 : memref<!tpu.dma_semaphore, #tpu.memory_space<semaphore_mem>>)
      %scan3A_472 = arith.constant 3 : i32
      %scan3A_473 = arith.addi %scan3A_367, %scan3A_472 : i32
      %get3A_474 = arith.index_cast %scan3A_473 : i32 to index
      %get3A_475 = tpu.vector_load %arg6[%get3A_474] {strides = array<i32>} : memref<528xi32, #tpu.memory_space<vmem>>, vector<16xi32>,
      %slice3A_476 = vector.extract_strided_slice %get3A_475 {offsets = [0], sizes = [1], strides = [1]} : vector<16xi32> to vector<1xi32>
      %squeeze3A_477 = vector.extract %slice3A_476[0] : i32 from vector<1xi32>
      %jit3A_478 = arith.constant 128 : i32
      %div3A_479 = arith.divsi %scan3A_473, %jit3A_478 : i32
      %sign3A_480 = arith.constant 0 : i32
      %sign3A_481 = arith.cmpi sgt, %scan3A_473, %sign3A_480 : i32
      %sign3A_482 = arith.extui %sign3A_481 : i1 to i32
      %sign3A_483 = arith.constant 0 : i32
      %sign3A_484 = arith.cmpi slt, %scan3A_473, %sign3A_483 : i32
      %sign3A_485 = arith.extui %sign3A_484 : i1 to i32
      %sign3A_486 = arith.subi %sign3A_482, %sign3A_485 : i32
      %sign3A_487 = arith.constant 0 : i32
      %sign3A_488 = arith.cmpi sgt, %jit3A_478, %sign3A_487 : i32
      %sign3A_489 = arith.extui %sign3A_488 : i1 to i32
      %sign3A_490 = arith.constant 0 : i32
      %sign3A_491 = arith.cmpi slt, %jit3A_478, %sign3A_490 : i32
      %sign3A_492 = arith.extui %sign3A_491 : i1 to i32
      %sign3A_493 = arith.subi %sign3A_489, %sign3A_492 : i32
      %ne3A_494 = arith.cmpi ne, %sign3A_486, %sign3A_493 : i32
      %rem3A_495 = arith.remsi %scan3A_473, %jit3A_478 : i32
      %ne3A_496 = arith.constant 0 : i32
      %ne3A_497 = arith.cmpi ne, %rem3A_495, %ne3A_496 : i32
      %and3A_498 = arith.andi %ne3A_494, %ne3A_497 : i1
      %sub3A_499 = arith.constant 1 : i32
      %sub3A_500 = arith.subi %div3A_479, %sub3A_499 : i32
      %select_n3A_501 = arith.select %and3A_498, %sub3A_500, %div3A_479 : i32
      %mul3A_502 = arith.constant 128 : i32
      %mul3A_503 = arith.muli %select_n3A_501, %mul3A_502 : i32
      %add3A_504 = arith.addi %mul3A_2, %mul3A_503 : i32
      %dma_start3A_505 = arith.constant 0 : i32
      %dma_start3A_506 = tpu.memref_slice %arg8[%scan3A_473, %dma_start3A_505] : memref<512x128xf32, #tpu.memory_space<vmem>> -> memref<1x128xf32, #tpu.memory_space<vmem>>
      %dma_start3A_507 = tpu.memref_slice %arg2[%squeeze3A_477, %add3A_504] : memref<1000x16384xf32, #tpu.memory_space<hbm>> -> memref<1x128xf32, #tpu.memory_space<hbm>>
      %dma_start3A_508 = arith.constant 0 : i32
      %dma_start3A_509 = tpu.memref_slice %arg8[%scan3A_473, %dma_start3A_508] : memref<512x128xf32, #tpu.memory_space<vmem>> -> memref<1x128xf32, #tpu.memory_space<vmem>>
      %dma_start3A_510 = tpu.memref_slice %arg2[%squeeze3A_477, %add3A_504] : memref<1000x16384xf32, #tpu.memory_space<hbm>> -> memref<1x128xf32, #tpu.memory_space<hbm>>
      tpu.enqueue_dma source(%dma_start3A_510 : memref<1x128xf32, #tpu.memory_space<hbm>>) target(%dma_start3A_509 : memref<1x128xf32, #tpu.memory_space<vmem>>) target_semaphore(%arg10 : memref<!tpu.dma_semaphore, #tpu.memory_space<semaphore_mem>>)
      %scan3A_511 = arith.constant 4 : i32
      %scan3A_512 = arith.addi %scan3A_367, %scan3A_511 : i32
      %get3A_513 = arith.index_cast %scan3A_512 : i32 to index
      %get3A_514 = tpu.vector_load %arg6[%get3A_513] {strides = array<i32>} : memref<528xi32, #tpu.memory_space<vmem>>, vector<16xi32>,
      %slice3A_515 = vector.extract_strided_slice %get3A_514 {offsets = [0], sizes = [1], strides = [1]} : vector<16xi32> to vector<1xi32>
      %squeeze3A_516 = vector.extract %slice3A_515[0] : i32 from vector<1xi32>
      %jit3A_517 = arith.constant 128 : i32
      %div3A_518 = arith.divsi %scan3A_512, %jit3A_517 : i32
      %sign3A_519 = arith.constant 0 : i32
      %sign3A_520 = arith.cmpi sgt, %scan3A_512, %sign3A_519 : i32
      %sign3A_521 = arith.extui %sign3A_520 : i1 to i32
      %sign3A_522 = arith.constant 0 : i32
      %sign3A_523 = arith.cmpi slt, %scan3A_512, %sign3A_522 : i32
      %sign3A_524 = arith.extui %sign3A_523 : i1 to i32
      %sign3A_525 = arith.subi %sign3A_521, %sign3A_524 : i32
      %sign3A_526 = arith.constant 0 : i32
      %sign3A_527 = arith.cmpi sgt, %jit3A_517, %sign3A_526 : i32
      %sign3A_528 = arith.extui %sign3A_527 : i1 to i32
      %sign3A_529 = arith.constant 0 : i32
      %sign3A_530 = arith.cmpi slt, %jit3A_517, %sign3A_529 : i32
      %sign3A_531 = arith.extui %sign3A_530 : i1 to i32
      %sign3A_532 = arith.subi %sign3A_528, %sign3A_531 : i32
      %ne3A_533 = arith.cmpi ne, %sign3A_525, %sign3A_532 : i32
      %rem3A_534 = arith.remsi %scan3A_512, %jit3A_517 : i32
      %ne3A_535 = arith.constant 0 : i32
      %ne3A_536 = arith.cmpi ne, %rem3A_534, %ne3A_535 : i32
      %and3A_537 = arith.andi %ne3A_533, %ne3A_536 : i1
      %sub3A_538 = arith.constant 1 : i32
      %sub3A_539 = arith.subi %div3A_518, %sub3A_538 : i32
      %select_n3A_540 = arith.select %and3A_537, %sub3A_539, %div3A_518 : i32
      %mul3A_541 = arith.constant 128 : i32
      %mul3A_542 = arith.muli %select_n3A_540, %mul3A_541 : i32
      %add3A_543 = arith.addi %mul3A_2, %mul3A_542 : i32
      %dma_start3A_544 = arith.constant 0 : i32
      %dma_start3A_545 = tpu.memref_slice %arg8[%scan3A_512, %dma_start3A_544] : memref<512x128xf32, #tpu.memory_space<vmem>> -> memref<1x128xf32, #tpu.memory_space<vmem>>
      %dma_start3A_546 = tpu.memref_slice %arg2[%squeeze3A_516, %add3A_543] : memref<1000x16384xf32, #tpu.memory_space<hbm>> -> memref<1x128xf32, #tpu.memory_space<hbm>>
      %dma_start3A_547 = arith.constant 0 : i32
      %dma_start3A_548 = tpu.memref_slice %arg8[%scan3A_512, %dma_start3A_547] : memref<512x128xf32, #tpu.memory_space<vmem>> -> memref<1x128xf32, #tpu.memory_space<vmem>>
      %dma_start3A_549 = tpu.memref_slice %arg2[%squeeze3A_516, %add3A_543] : memref<1000x16384xf32, #tpu.memory_space<hbm>> -> memref<1x128xf32, #tpu.memory_space<hbm>>
      tpu.enqueue_dma source(%dma_start3A_549 : memref<1x128xf32, #tpu.memory_space<hbm>>) target(%dma_start3A_548 : memref<1x128xf32, #tpu.memory_space<vmem>>) target_semaphore(%arg10 : memref<!tpu.dma_semaphore, #tpu.memory_space<semaphore_mem>>)
      %scan3A_550 = arith.constant 5 : i32
      %scan3A_551 = arith.addi %scan3A_367, %scan3A_550 : i32
      %get3A_552 = arith.index_cast %scan3A_551 : i32 to index
      %get3A_553 = tpu.vector_load %arg6[%get3A_552] {strides = array<i32>} : memref<528xi32, #tpu.memory_space<vmem>>, vector<16xi32>,
      %slice3A_554 = vector.extract_strided_slice %get3A_553 {offsets = [0], sizes = [1], strides = [1]} : vector<16xi32> to vector<1xi32>
      %squeeze3A_555 = vector.extract %slice3A_554[0] : i32 from vector<1xi32>
      %jit3A_556 = arith.constant 128 : i32
      %div3A_557 = arith.divsi %scan3A_551, %jit3A_556 : i32
      %sign3A_558 = arith.constant 0 : i32
      %sign3A_559 = arith.cmpi sgt, %scan3A_551, %sign3A_558 : i32
      %sign3A_560 = arith.extui %sign3A_559 : i1 to i32
      %sign3A_561 = arith.constant 0 : i32
      %sign3A_562 = arith.cmpi slt, %scan3A_551, %sign3A_561 : i32
      %sign3A_563 = arith.extui %sign3A_562 : i1 to i32
      %sign3A_564 = arith.subi %sign3A_560, %sign3A_563 : i32
      %sign3A_565 = arith.constant 0 : i32
      %sign3A_566 = arith.cmpi sgt, %jit3A_556, %sign3A_565 : i32
      %sign3A_567 = arith.extui %sign3A_566 : i1 to i32
      %sign3A_568 = arith.constant 0 : i32
      %sign3A_569 = arith.cmpi slt, %jit3A_556, %sign3A_568 : i32
      %sign3A_570 = arith.extui %sign3A_569 : i1 to i32
      %sign3A_571 = arith.subi %sign3A_567, %sign3A_570 : i32
      %ne3A_572 = arith.cmpi ne, %sign3A_564, %sign3A_571 : i32
      %rem3A_573 = arith.remsi %scan3A_551, %jit3A_556 : i32
      %ne3A_574 = arith.constant 0 : i32
      %ne3A_575 = arith.cmpi ne, %rem3A_573, %ne3A_574 : i32
      %and3A_576 = arith.andi %ne3A_572, %ne3A_575 : i1
      %sub3A_577 = arith.constant 1 : i32
      %sub3A_578 = arith.subi %div3A_557, %sub3A_577 : i32
      %select_n3A_579 = arith.select %and3A_576, %sub3A_578, %div3A_557 : i32
      %mul3A_580 = arith.constant 128 : i32
      %mul3A_581 = arith.muli %select_n3A_579, %mul3A_580 : i32
      %add3A_582 = arith.addi %mul3A_2, %mul3A_581 : i32
      %dma_start3A_583 = arith.constant 0 : i32
      %dma_start3A_584 = tpu.memref_slice %arg8[%scan3A_551, %dma_start3A_583] : memref<512x128xf32, #tpu.memory_space<vmem>> -> memref<1x128xf32, #tpu.memory_space<vmem>>
      %dma_start3A_585 = tpu.memref_slice %arg2[%squeeze3A_555, %add3A_582] : memref<1000x16384xf32, #tpu.memory_space<hbm>> -> memref<1x128xf32, #tpu.memory_space<hbm>>
      %dma_start3A_586 = arith.constant 0 : i32
      %dma_start3A_587 = tpu.memref_slice %arg8[%scan3A_551, %dma_start3A_586] : memref<512x128xf32, #tpu.memory_space<vmem>> -> memref<1x128xf32, #tpu.memory_space<vmem>>
      %dma_start3A_588 = tpu.memref_slice %arg2[%squeeze3A_555, %add3A_582] : memref<1000x16384xf32, #tpu.memory_space<hbm>> -> memref<1x128xf32, #tpu.memory_space<hbm>>
      tpu.enqueue_dma source(%dma_start3A_588 : memref<1x128xf32, #tpu.memory_space<hbm>>) target(%dma_start3A_587 : memref<1x128xf32, #tpu.memory_space<vmem>>) target_semaphore(%arg10 : memref<!tpu.dma_semaphore, #tpu.memory_space<semaphore_mem>>)
      %scan3A_589 = arith.constant 6 : i32
      %scan3A_590 = arith.addi %scan3A_367, %scan3A_589 : i32
      %get3A_591 = arith.index_cast %scan3A_590 : i32 to index
      %get3A_592 = tpu.vector_load %arg6[%get3A_591] {strides = array<i32>} : memref<528xi32, #tpu.memory_space<vmem>>, vector<16xi32>,
      %slice3A_593 = vector.extract_strided_slice %get3A_592 {offsets = [0], sizes = [1], strides = [1]} : vector<16xi32> to vector<1xi32>
      %squeeze3A_594 = vector.extract %slice3A_593[0] : i32 from vector<1xi32>
      %jit3A_595 = arith.constant 128 : i32
      %div3A_596 = arith.divsi %scan3A_590, %jit3A_595 : i32
      %sign3A_597 = arith.constant 0 : i32
      %sign3A_598 = arith.cmpi sgt, %scan3A_590, %sign3A_597 : i32
      %sign3A_599 = arith.extui %sign3A_598 : i1 to i32
      %sign3A_600 = arith.constant 0 : i32
      %sign3A_601 = arith.cmpi slt, %scan3A_590, %sign3A_600 : i32
      %sign3A_602 = arith.extui %sign3A_601 : i1 to i32
      %sign3A_603 = arith.subi %sign3A_599, %sign3A_602 : i32
      %sign3A_604 = arith.constant 0 : i32
      %sign3A_605 = arith.cmpi sgt, %jit3A_595, %sign3A_604 : i32
      %sign3A_606 = arith.extui %sign3A_605 : i1 to i32
      %sign3A_607 = arith.constant 0 : i32
      %sign3A_608 = arith.cmpi slt, %jit3A_595, %sign3A_607 : i32
      %sign3A_609 = arith.extui %sign3A_608 : i1 to i32
      %sign3A_610 = arith.subi %sign3A_606, %sign3A_609 : i32
      %ne3A_611 = arith.cmpi ne, %sign3A_603, %sign3A_610 : i32
      %rem3A_612 = arith.remsi %scan3A_590, %jit3A_595 : i32
      %ne3A_613 = arith.constant 0 : i32
      %ne3A_614 = arith.cmpi ne, %rem3A_612, %ne3A_613 : i32
      %and3A_615 = arith.andi %ne3A_611, %ne3A_614 : i1
      %sub3A_616 = arith.constant 1 : i32
      %sub3A_617 = arith.subi %div3A_596, %sub3A_616 : i32
      %select_n3A_618 = arith.select %and3A_615, %sub3A_617, %div3A_596 : i32
      %mul3A_619 = arith.constant 128 : i32
      %mul3A_620 = arith.muli %select_n3A_618, %mul3A_619 : i32
      %add3A_621 = arith.addi %mul3A_2, %mul3A_620 : i32
      %dma_start3A_622 = arith.constant 0 : i32
      %dma_start3A_623 = tpu.memref_slice %arg8[%scan3A_590, %dma_start3A_622] : memref<512x128xf32, #tpu.memory_space<vmem>> -> memref<1x128xf32, #tpu.memory_space<vmem>>
      %dma_start3A_624 = tpu.memref_slice %arg2[%squeeze3A_594, %add3A_621] : memref<1000x16384xf32, #tpu.memory_space<hbm>> -> memref<1x128xf32, #tpu.memory_space<hbm>>
      %dma_start3A_625 = arith.constant 0 : i32
      %dma_start3A_626 = tpu.memref_slice %arg8[%scan3A_590, %dma_start3A_625] : memref<512x128xf32, #tpu.memory_space<vmem>> -> memref<1x128xf32, #tpu.memory_space<vmem>>
      %dma_start3A_627 = tpu.memref_slice %arg2[%squeeze3A_594, %add3A_621] : memref<1000x16384xf32, #tpu.memory_space<hbm>> -> memref<1x128xf32, #tpu.memory_space<hbm>>
      tpu.enqueue_dma source(%dma_start3A_627 : memref<1x128xf32, #tpu.memory_space<hbm>>) target(%dma_start3A_626 : memref<1x128xf32, #tpu.memory_space<vmem>>) target_semaphore(%arg10 : memref<!tpu.dma_semaphore, #tpu.memory_space<semaphore_mem>>)
      %scan3A_628 = arith.constant 7 : i32
      %scan3A_629 = arith.addi %scan3A_367, %scan3A_628 : i32
      %get3A_630 = arith.index_cast %scan3A_629 : i32 to index
      %get3A_631 = tpu.vector_load %arg6[%get3A_630] {strides = array<i32>} : memref<528xi32, #tpu.memory_space<vmem>>, vector<16xi32>,
      %slice3A_632 = vector.extract_strided_slice %get3A_631 {offsets = [0], sizes = [1], strides = [1]} : vector<16xi32> to vector<1xi32>
      %squeeze3A_633 = vector.extract %slice3A_632[0] : i32 from vector<1xi32>
      %jit3A_634 = arith.constant 128 : i32
      %div3A_635 = arith.divsi %scan3A_629, %jit3A_634 : i32
      %sign3A_636 = arith.constant 0 : i32
      %sign3A_637 = arith.cmpi sgt, %scan3A_629, %sign3A_636 : i32
      %sign3A_638 = arith.extui %sign3A_637 : i1 to i32
      %sign3A_639 = arith.constant 0 : i32
      %sign3A_640 = arith.cmpi slt, %scan3A_629, %sign3A_639 : i32
      %sign3A_641 = arith.extui %sign3A_640 : i1 to i32
      %sign3A_642 = arith.subi %sign3A_638, %sign3A_641 : i32
      %sign3A_643 = arith.constant 0 : i32
      %sign3A_644 = arith.cmpi sgt, %jit3A_634, %sign3A_643 : i32
      %sign3A_645 = arith.extui %sign3A_644 : i1 to i32
      %sign3A_646 = arith.constant 0 : i32
      %sign3A_647 = arith.cmpi slt, %jit3A_634, %sign3A_646 : i32
      %sign3A_648 = arith.extui %sign3A_647 : i1 to i32
      %sign3A_649 = arith.subi %sign3A_645, %sign3A_648 : i32
      %ne3A_650 = arith.cmpi ne, %sign3A_642, %sign3A_649 : i32
      %rem3A_651 = arith.remsi %scan3A_629, %jit3A_634 : i32
      %ne3A_652 = arith.constant 0 : i32
      %ne3A_653 = arith.cmpi ne, %rem3A_651, %ne3A_652 : i32
      %and3A_654 = arith.andi %ne3A_650, %ne3A_653 : i1
      %sub3A_655 = arith.constant 1 : i32
      %sub3A_656 = arith.subi %div3A_635, %sub3A_655 : i32
      %select_n3A_657 = arith.select %and3A_654, %sub3A_656, %div3A_635 : i32
      %mul3A_658 = arith.constant 128 : i32
      %mul3A_659 = arith.muli %select_n3A_657, %mul3A_658 : i32
      %add3A_660 = arith.addi %mul3A_2, %mul3A_659 : i32
      %dma_start3A_661 = arith.constant 0 : i32
      %dma_start3A_662 = tpu.memref_slice %arg8[%scan3A_629, %dma_start3A_661] : memref<512x128xf32, #tpu.memory_space<vmem>> -> memref<1x128xf32, #tpu.memory_space<vmem>>
      %dma_start3A_663 = tpu.memref_slice %arg2[%squeeze3A_633, %add3A_660] : memref<1000x16384xf32, #tpu.memory_space<hbm>> -> memref<1x128xf32, #tpu.memory_space<hbm>>
      %dma_start3A_664 = arith.constant 0 : i32
      %dma_start3A_665 = tpu.memref_slice %arg8[%scan3A_629, %dma_start3A_664] : memref<512x128xf32, #tpu.memory_space<vmem>> -> memref<1x128xf32, #tpu.memory_space<vmem>>
      %dma_start3A_666 = tpu.memref_slice %arg2[%squeeze3A_633, %add3A_660] : memref<1000x16384xf32, #tpu.memory_space<hbm>> -> memref<1x128xf32, #tpu.memory_space<hbm>>
      tpu.enqueue_dma source(%dma_start3A_666 : memref<1x128xf32, #tpu.memory_space<hbm>>) target(%dma_start3A_665 : memref<1x128xf32, #tpu.memory_space<vmem>>) target_semaphore(%arg10 : memref<!tpu.dma_semaphore, #tpu.memory_space<semaphore_mem>>)
    }
    %scan3A_7 = arith.constant 512 : i32
    %dma_wait3A = arith.constant 0 : i32
    %dma_wait3A_8 = arith.constant 0 : i32
    %dma_wait3A_9 = tpu.memref_slice %arg2[%dma_wait3A, %dma_wait3A_8] : memref<1000x16384xf32, #tpu.memory_space<hbm>> -> memref<512x128xf32, #tpu.memory_space<hbm>>
    %dma_wait3A_10 = arith.constant 0 : i32
    %dma_wait3A_11 = arith.constant 0 : i32
    %dma_wait3A_12 = tpu.memref_slice %arg2[%dma_wait3A_10, %dma_wait3A_11] : memref<1000x16384xf32, #tpu.memory_space<hbm>> -> memref<512x128xf32, #tpu.memory_space<hbm>>
    tpu.wait_dma2 semaphore(%arg10 : memref<!tpu.dma_semaphore, #tpu.memory_space<semaphore_mem>>) src(%dma_wait3A_12 : memref<512x128xf32, #tpu.memory_space<hbm>>) dst(%arg8 : memref<512x128xf32, #tpu.memory_space<vmem>>)
    %broadcast_in_dim3A = arith.constant 0.000000e+00 : f32
    %broadcast_in_dim3A_13 = vector.broadcast %broadcast_in_dim3A : f32 to vector<16xf32>
    %add3A_14 = arith.constant 0 : i32
    %add3A_15 = vector.broadcast %add3A_14 : i32 to vector<16xi32>
    %add3A_16 = arith.addi %add3A_15, %iota3A : vector<16xi32>
    %add3A_17 = arith.constant 0 : i32
    %add3A_18 = vector.broadcast %add3A_17 : i32 to vector<16xi32>
    %add3A_19 = arith.addi %add3A_18, %iota3A : vector<16xi32>
    %gather3A = tpu.vector_load_idx %arg8[%add3A_19, %add3A_16] : memref<512x128xf32, #tpu.memory_space<vmem>>[vector<16xi32>, vector<16xi32>], vector<16xf32>,
    %get3A = arith.constant 0 : index
    %get3A_20 = tpu.vector_load %arg7[%get3A] {strides = array<i32>} : memref<512xf32, #tpu.memory_space<vmem>>, vector<16xf32>,
    %mul3A_21 = arith.mulf %gather3A, %get3A_20 : vector<16xf32>
    %add3A_22 = arith.addf %broadcast_in_dim3A_13, %mul3A_21 : vector<16xf32>
    %add3A_23 = arith.constant 16 : i32
    %add3A_24 = vector.broadcast %add3A_23 : i32 to vector<16xi32>
    %add3A_25 = arith.addi %add3A_24, %iota3A : vector<16xi32>
    %add3A_26 = arith.constant 16 : i32
    %add3A_27 = vector.broadcast %add3A_26 : i32 to vector<16xi32>
    %add3A_28 = arith.addi %add3A_27, %iota3A : vector<16xi32>
    %gather3A_29 = tpu.vector_load_idx %arg8[%add3A_28, %add3A_25] : memref<512x128xf32, #tpu.memory_space<vmem>>[vector<16xi32>, vector<16xi32>], vector<16xf32>,
    %get3A_30 = arith.constant 16 : index
    %get3A_31 = tpu.vector_load %arg7[%get3A_30] {strides = array<i32>} : memref<512xf32, #tpu.memory_space<vmem>>, vector<16xf32>,
    %mul3A_32 = arith.mulf %gather3A_29, %get3A_31 : vector<16xf32>
    %add3A_33 = arith.addf %add3A_22, %mul3A_32 : vector<16xf32>
    %add3A_34 = arith.constant 32 : i32
    %add3A_35 = vector.broadcast %add3A_34 : i32 to vector<16xi32>
    %add3A_36 = arith.addi %add3A_35, %iota3A : vector<16xi32>
    %add3A_37 = arith.constant 32 : i32
    %add3A_38 = vector.broadcast %add3A_37 : i32 to vector<16xi32>
    %add3A_39 = arith.addi %add3A_38, %iota3A : vector<16xi32>
    %gather3A_40 = tpu.vector_load_idx %arg8[%add3A_39, %add3A_36] : memref<512x128xf32, #tpu.memory_space<vmem>>[vector<16xi32>, vector<16xi32>], vector<16xf32>,
    %get3A_41 = arith.constant 32 : index
    %get3A_42 = tpu.vector_load %arg7[%get3A_41] {strides = array<i32>} : memref<512xf32, #tpu.memory_space<vmem>>, vector<16xf32>,
    %mul3A_43 = arith.mulf %gather3A_40, %get3A_42 : vector<16xf32>
    %add3A_44 = arith.addf %add3A_33, %mul3A_43 : vector<16xf32>
    %add3A_45 = arith.constant 48 : i32
    %add3A_46 = vector.broadcast %add3A_45 : i32 to vector<16xi32>
    %add3A_47 = arith.addi %add3A_46, %iota3A : vector<16xi32>
    %add3A_48 = arith.constant 48 : i32
    %add3A_49 = vector.broadcast %add3A_48 : i32 to vector<16xi32>
    %add3A_50 = arith.addi %add3A_49, %iota3A : vector<16xi32>
    %gather3A_51 = tpu.vector_load_idx %arg8[%add3A_50, %add3A_47] : memref<512x128xf32, #tpu.memory_space<vmem>>[vector<16xi32>, vector<16xi32>], vector<16xf32>,
    %get3A_52 = arith.constant 48 : index
    %get3A_53 = tpu.vector_load %arg7[%get3A_52] {strides = array<i32>} : memref<512xf32, #tpu.memory_space<vmem>>, vector<16xf32>,
    %mul3A_54 = arith.mulf %gather3A_51, %get3A_53 : vector<16xf32>
    %add3A_55 = arith.addf %add3A_44, %mul3A_54 : vector<16xf32>
    %add3A_56 = arith.constant 64 : i32
    %add3A_57 = vector.broadcast %add3A_56 : i32 to vector<16xi32>
    %add3A_58 = arith.addi %add3A_57, %iota3A : vector<16xi32>
    %add3A_59 = arith.constant 64 : i32
    %add3A_60 = vector.broadcast %add3A_59 : i32 to vector<16xi32>
    %add3A_61 = arith.addi %add3A_60, %iota3A : vector<16xi32>
    %gather3A_62 = tpu.vector_load_idx %arg8[%add3A_61, %add3A_58] : memref<512x128xf32, #tpu.memory_space<vmem>>[vector<16xi32>, vector<16xi32>], vector<16xf32>,
    %get3A_63 = arith.constant 64 : index
    %get3A_64 = tpu.vector_load %arg7[%get3A_63] {strides = array<i32>} : memref<512xf32, #tpu.memory_space<vmem>>, vector<16xf32>,
    %mul3A_65 = arith.mulf %gather3A_62, %get3A_64 : vector<16xf32>
    %add3A_66 = arith.addf %add3A_55, %mul3A_65 : vector<16xf32>
    %add3A_67 = arith.constant 80 : i32
    %add3A_68 = vector.broadcast %add3A_67 : i32 to vector<16xi32>
    %add3A_69 = arith.addi %add3A_68, %iota3A : vector<16xi32>
    %add3A_70 = arith.constant 80 : i32
    %add3A_71 = vector.broadcast %add3A_70 : i32 to vector<16xi32>
    %add3A_72 = arith.addi %add3A_71, %iota3A : vector<16xi32>
    %gather3A_73 = tpu.vector_load_idx %arg8[%add3A_72, %add3A_69] : memref<512x128xf32, #tpu.memory_space<vmem>>[vector<16xi32>, vector<16xi32>], vector<16xf32>,
    %get3A_74 = arith.constant 80 : index
    %get3A_75 = tpu.vector_load %arg7[%get3A_74] {strides = array<i32>} : memref<512xf32, #tpu.memory_space<vmem>>, vector<16xf32>,
    %mul3A_76 = arith.mulf %gather3A_73, %get3A_75 : vector<16xf32>
    %add3A_77 = arith.addf %add3A_66, %mul3A_76 : vector<16xf32>
    %add3A_78 = arith.constant 96 : i32
    %add3A_79 = vector.broadcast %add3A_78 : i32 to vector<16xi32>
    %add3A_80 = arith.addi %add3A_79, %iota3A : vector<16xi32>
    %add3A_81 = arith.constant 96 : i32
    %add3A_82 = vector.broadcast %add3A_81 : i32 to vector<16xi32>
    %add3A_83 = arith.addi %add3A_82, %iota3A : vector<16xi32>
    %gather3A_84 = tpu.vector_load_idx %arg8[%add3A_83, %add3A_80] : memref<512x128xf32, #tpu.memory_space<vmem>>[vector<16xi32>, vector<16xi32>], vector<16xf32>,
    %get3A_85 = arith.constant 96 : index
    %get3A_86 = tpu.vector_load %arg7[%get3A_85] {strides = array<i32>} : memref<512xf32, #tpu.memory_space<vmem>>, vector<16xf32>,
    %mul3A_87 = arith.mulf %gather3A_84, %get3A_86 : vector<16xf32>
    %add3A_88 = arith.addf %add3A_77, %mul3A_87 : vector<16xf32>
    %add3A_89 = arith.constant 112 : i32
    %add3A_90 = vector.broadcast %add3A_89 : i32 to vector<16xi32>
    %add3A_91 = arith.addi %add3A_90, %iota3A : vector<16xi32>
    %add3A_92 = arith.constant 112 : i32
    %add3A_93 = vector.broadcast %add3A_92 : i32 to vector<16xi32>
    %add3A_94 = arith.addi %add3A_93, %iota3A : vector<16xi32>
    %gather3A_95 = tpu.vector_load_idx %arg8[%add3A_94, %add3A_91] : memref<512x128xf32, #tpu.memory_space<vmem>>[vector<16xi32>, vector<16xi32>], vector<16xf32>,
    %get3A_96 = arith.constant 112 : index
    %get3A_97 = tpu.vector_load %arg7[%get3A_96] {strides = array<i32>} : memref<512xf32, #tpu.memory_space<vmem>>, vector<16xf32>,
    %mul3A_98 = arith.mulf %gather3A_95, %get3A_97 : vector<16xf32>
    %add3A_99 = arith.addf %add3A_88, %mul3A_98 : vector<16xf32>
    %add3A_100 = arith.constant 0 : i32
    %add3A_101 = vector.broadcast %add3A_100 : i32 to vector<16xi32>
    %add3A_102 = arith.addi %add3A_101, %iota3A : vector<16xi32>
    %add3A_103 = arith.constant 128 : i32
    %add3A_104 = vector.broadcast %add3A_103 : i32 to vector<16xi32>
    %add3A_105 = arith.addi %add3A_104, %iota3A : vector<16xi32>
    %gather3A_106 = tpu.vector_load_idx %arg8[%add3A_105, %add3A_102] : memref<512x128xf32, #tpu.memory_space<vmem>>[vector<16xi32>, vector<16xi32>], vector<16xf32>,
    %get3A_107 = arith.constant 128 : index
    %get3A_108 = tpu.vector_load %arg7[%get3A_107] {strides = array<i32>} : memref<512xf32, #tpu.memory_space<vmem>>, vector<16xf32>,
    %mul3A_109 = arith.mulf %gather3A_106, %get3A_108 : vector<16xf32>
    %add3A_110 = arith.addf %add3A_99, %mul3A_109 : vector<16xf32>
    %add3A_111 = arith.constant 16 : i32
    %add3A_112 = vector.broadcast %add3A_111 : i32 to vector<16xi32>
    %add3A_113 = arith.addi %add3A_112, %iota3A : vector<16xi32>
    %add3A_114 = arith.constant 144 : i32
    %add3A_115 = vector.broadcast %add3A_114 : i32 to vector<16xi32>
    %add3A_116 = arith.addi %add3A_115, %iota3A : vector<16xi32>
    %gather3A_117 = tpu.vector_load_idx %arg8[%add3A_116, %add3A_113] : memref<512x128xf32, #tpu.memory_space<vmem>>[vector<16xi32>, vector<16xi32>], vector<16xf32>,
    %get3A_118 = arith.constant 144 : index
    %get3A_119 = tpu.vector_load %arg7[%get3A_118] {strides = array<i32>} : memref<512xf32, #tpu.memory_space<vmem>>, vector<16xf32>,
    %mul3A_120 = arith.mulf %gather3A_117, %get3A_119 : vector<16xf32>
    %add3A_121 = arith.addf %add3A_110, %mul3A_120 : vector<16xf32>
    %add3A_122 = arith.constant 32 : i32
    %add3A_123 = vector.broadcast %add3A_122 : i32 to vector<16xi32>
    %add3A_124 = arith.addi %add3A_123, %iota3A : vector<16xi32>
    %add3A_125 = arith.constant 160 : i32
    %add3A_126 = vector.broadcast %add3A_125 : i32 to vector<16xi32>
    %add3A_127 = arith.addi %add3A_126, %iota3A : vector<16xi32>
    %gather3A_128 = tpu.vector_load_idx %arg8[%add3A_127, %add3A_124] : memref<512x128xf32, #tpu.memory_space<vmem>>[vector<16xi32>, vector<16xi32>], vector<16xf32>,
    %get3A_129 = arith.constant 160 : index
    %get3A_130 = tpu.vector_load %arg7[%get3A_129] {strides = array<i32>} : memref<512xf32, #tpu.memory_space<vmem>>, vector<16xf32>,
    %mul3A_131 = arith.mulf %gather3A_128, %get3A_130 : vector<16xf32>
    %add3A_132 = arith.addf %add3A_121, %mul3A_131 : vector<16xf32>
    %add3A_133 = arith.constant 48 : i32
    %add3A_134 = vector.broadcast %add3A_133 : i32 to vector<16xi32>
    %add3A_135 = arith.addi %add3A_134, %iota3A : vector<16xi32>
    %add3A_136 = arith.constant 176 : i32
    %add3A_137 = vector.broadcast %add3A_136 : i32 to vector<16xi32>
    %add3A_138 = arith.addi %add3A_137, %iota3A : vector<16xi32>
    %gather3A_139 = tpu.vector_load_idx %arg8[%add3A_138, %add3A_135] : memref<512x128xf32, #tpu.memory_space<vmem>>[vector<16xi32>, vector<16xi32>], vector<16xf32>,
    %get3A_140 = arith.constant 176 : index
    %get3A_141 = tpu.vector_load %arg7[%get3A_140] {strides = array<i32>} : memref<512xf32, #tpu.memory_space<vmem>>, vector<16xf32>,
    %mul3A_142 = arith.mulf %gather3A_139, %get3A_141 : vector<16xf32>
    %add3A_143 = arith.addf %add3A_132, %mul3A_142 : vector<16xf32>
    %add3A_144 = arith.constant 64 : i32
    %add3A_145 = vector.broadcast %add3A_144 : i32 to vector<16xi32>
    %add3A_146 = arith.addi %add3A_145, %iota3A : vector<16xi32>
    %add3A_147 = arith.constant 192 : i32
    %add3A_148 = vector.broadcast %add3A_147 : i32 to vector<16xi32>
    %add3A_149 = arith.addi %add3A_148, %iota3A : vector<16xi32>
    %gather3A_150 = tpu.vector_load_idx %arg8[%add3A_149, %add3A_146] : memref<512x128xf32, #tpu.memory_space<vmem>>[vector<16xi32>, vector<16xi32>], vector<16xf32>,
    %get3A_151 = arith.constant 192 : index
    %get3A_152 = tpu.vector_load %arg7[%get3A_151] {strides = array<i32>} : memref<512xf32, #tpu.memory_space<vmem>>, vector<16xf32>,
    %mul3A_153 = arith.mulf %gather3A_150, %get3A_152 : vector<16xf32>
    %add3A_154 = arith.addf %add3A_143, %mul3A_153 : vector<16xf32>
    %add3A_155 = arith.constant 80 : i32
    %add3A_156 = vector.broadcast %add3A_155 : i32 to vector<16xi32>
    %add3A_157 = arith.addi %add3A_156, %iota3A : vector<16xi32>
    %add3A_158 = arith.constant 208 : i32
    %add3A_159 = vector.broadcast %add3A_158 : i32 to vector<16xi32>
    %add3A_160 = arith.addi %add3A_159, %iota3A : vector<16xi32>
    %gather3A_161 = tpu.vector_load_idx %arg8[%add3A_160, %add3A_157] : memref<512x128xf32, #tpu.memory_space<vmem>>[vector<16xi32>, vector<16xi32>], vector<16xf32>,
    %get3A_162 = arith.constant 208 : index
    %get3A_163 = tpu.vector_load %arg7[%get3A_162] {strides = array<i32>} : memref<512xf32, #tpu.memory_space<vmem>>, vector<16xf32>,
    %mul3A_164 = arith.mulf %gather3A_161, %get3A_163 : vector<16xf32>
    %add3A_165 = arith.addf %add3A_154, %mul3A_164 : vector<16xf32>
    %add3A_166 = arith.constant 96 : i32
    %add3A_167 = vector.broadcast %add3A_166 : i32 to vector<16xi32>
    %add3A_168 = arith.addi %add3A_167, %iota3A : vector<16xi32>
    %add3A_169 = arith.constant 224 : i32
    %add3A_170 = vector.broadcast %add3A_169 : i32 to vector<16xi32>
    %add3A_171 = arith.addi %add3A_170, %iota3A : vector<16xi32>
    %gather3A_172 = tpu.vector_load_idx %arg8[%add3A_171, %add3A_168] : memref<512x128xf32, #tpu.memory_space<vmem>>[vector<16xi32>, vector<16xi32>], vector<16xf32>,
    %get3A_173 = arith.constant 224 : index
    %get3A_174 = tpu.vector_load %arg7[%get3A_173] {strides = array<i32>} : memref<512xf32, #tpu.memory_space<vmem>>, vector<16xf32>,
    %mul3A_175 = arith.mulf %gather3A_172, %get3A_174 : vector<16xf32>
    %add3A_176 = arith.addf %add3A_165, %mul3A_175 : vector<16xf32>
    %add3A_177 = arith.constant 112 : i32
    %add3A_178 = vector.broadcast %add3A_177 : i32 to vector<16xi32>
    %add3A_179 = arith.addi %add3A_178, %iota3A : vector<16xi32>
    %add3A_180 = arith.constant 240 : i32
    %add3A_181 = vector.broadcast %add3A_180 : i32 to vector<16xi32>
    %add3A_182 = arith.addi %add3A_181, %iota3A : vector<16xi32>
    %gather3A_183 = tpu.vector_load_idx %arg8[%add3A_182, %add3A_179] : memref<512x128xf32, #tpu.memory_space<vmem>>[vector<16xi32>, vector<16xi32>], vector<16xf32>,
    %get3A_184 = arith.constant 240 : index
    %get3A_185 = tpu.vector_load %arg7[%get3A_184] {strides = array<i32>} : memref<512xf32, #tpu.memory_space<vmem>>, vector<16xf32>,
    %mul3A_186 = arith.mulf %gather3A_183, %get3A_185 : vector<16xf32>
    %add3A_187 = arith.addf %add3A_176, %mul3A_186 : vector<16xf32>
    %add3A_188 = arith.constant 0 : i32
    %add3A_189 = vector.broadcast %add3A_188 : i32 to vector<16xi32>
    %add3A_190 = arith.addi %add3A_189, %iota3A : vector<16xi32>
    %add3A_191 = arith.constant 256 : i32
    %add3A_192 = vector.broadcast %add3A_191 : i32 to vector<16xi32>
    %add3A_193 = arith.addi %add3A_192, %iota3A : vector<16xi32>
    %gather3A_194 = tpu.vector_load_idx %arg8[%add3A_193, %add3A_190] : memref<512x128xf32, #tpu.memory_space<vmem>>[vector<16xi32>, vector<16xi32>], vector<16xf32>,
    %get3A_195 = arith.constant 256 : index
    %get3A_196 = tpu.vector_load %arg7[%get3A_195] {strides = array<i32>} : memref<512xf32, #tpu.memory_space<vmem>>, vector<16xf32>,
    %mul3A_197 = arith.mulf %gather3A_194, %get3A_196 : vector<16xf32>
    %add3A_198 = arith.addf %add3A_187, %mul3A_197 : vector<16xf32>
    %add3A_199 = arith.constant 16 : i32
    %add3A_200 = vector.broadcast %add3A_199 : i32 to vector<16xi32>
    %add3A_201 = arith.addi %add3A_200, %iota3A : vector<16xi32>
    %add3A_202 = arith.constant 272 : i32
    %add3A_203 = vector.broadcast %add3A_202 : i32 to vector<16xi32>
    %add3A_204 = arith.addi %add3A_203, %iota3A : vector<16xi32>
    %gather3A_205 = tpu.vector_load_idx %arg8[%add3A_204, %add3A_201] : memref<512x128xf32, #tpu.memory_space<vmem>>[vector<16xi32>, vector<16xi32>], vector<16xf32>,
    %get3A_206 = arith.constant 272 : index
    %get3A_207 = tpu.vector_load %arg7[%get3A_206] {strides = array<i32>} : memref<512xf32, #tpu.memory_space<vmem>>, vector<16xf32>,
    %mul3A_208 = arith.mulf %gather3A_205, %get3A_207 : vector<16xf32>
    %add3A_209 = arith.addf %add3A_198, %mul3A_208 : vector<16xf32>
    %add3A_210 = arith.constant 32 : i32
    %add3A_211 = vector.broadcast %add3A_210 : i32 to vector<16xi32>
    %add3A_212 = arith.addi %add3A_211, %iota3A : vector<16xi32>
    %add3A_213 = arith.constant 288 : i32
    %add3A_214 = vector.broadcast %add3A_213 : i32 to vector<16xi32>
    %add3A_215 = arith.addi %add3A_214, %iota3A : vector<16xi32>
    %gather3A_216 = tpu.vector_load_idx %arg8[%add3A_215, %add3A_212] : memref<512x128xf32, #tpu.memory_space<vmem>>[vector<16xi32>, vector<16xi32>], vector<16xf32>,
    %get3A_217 = arith.constant 288 : index
    %get3A_218 = tpu.vector_load %arg7[%get3A_217] {strides = array<i32>} : memref<512xf32, #tpu.memory_space<vmem>>, vector<16xf32>,
    %mul3A_219 = arith.mulf %gather3A_216, %get3A_218 : vector<16xf32>
    %add3A_220 = arith.addf %add3A_209, %mul3A_219 : vector<16xf32>
    %add3A_221 = arith.constant 48 : i32
    %add3A_222 = vector.broadcast %add3A_221 : i32 to vector<16xi32>
    %add3A_223 = arith.addi %add3A_222, %iota3A : vector<16xi32>
    %add3A_224 = arith.constant 304 : i32
    %add3A_225 = vector.broadcast %add3A_224 : i32 to vector<16xi32>
    %add3A_226 = arith.addi %add3A_225, %iota3A : vector<16xi32>
    %gather3A_227 = tpu.vector_load_idx %arg8[%add3A_226, %add3A_223] : memref<512x128xf32, #tpu.memory_space<vmem>>[vector<16xi32>, vector<16xi32>], vector<16xf32>,
    %get3A_228 = arith.constant 304 : index
    %get3A_229 = tpu.vector_load %arg7[%get3A_228] {strides = array<i32>} : memref<512xf32, #tpu.memory_space<vmem>>, vector<16xf32>,
    %mul3A_230 = arith.mulf %gather3A_227, %get3A_229 : vector<16xf32>
    %add3A_231 = arith.addf %add3A_220, %mul3A_230 : vector<16xf32>
    %add3A_232 = arith.constant 64 : i32
    %add3A_233 = vector.broadcast %add3A_232 : i32 to vector<16xi32>
    %add3A_234 = arith.addi %add3A_233, %iota3A : vector<16xi32>
    %add3A_235 = arith.constant 320 : i32
    %add3A_236 = vector.broadcast %add3A_235 : i32 to vector<16xi32>
    %add3A_237 = arith.addi %add3A_236, %iota3A : vector<16xi32>
    %gather3A_238 = tpu.vector_load_idx %arg8[%add3A_237, %add3A_234] : memref<512x128xf32, #tpu.memory_space<vmem>>[vector<16xi32>, vector<16xi32>], vector<16xf32>,
    %get3A_239 = arith.constant 320 : index
    %get3A_240 = tpu.vector_load %arg7[%get3A_239] {strides = array<i32>} : memref<512xf32, #tpu.memory_space<vmem>>, vector<16xf32>,
    %mul3A_241 = arith.mulf %gather3A_238, %get3A_240 : vector<16xf32>
    %add3A_242 = arith.addf %add3A_231, %mul3A_241 : vector<16xf32>
    %add3A_243 = arith.constant 80 : i32
    %add3A_244 = vector.broadcast %add3A_243 : i32 to vector<16xi32>
    %add3A_245 = arith.addi %add3A_244, %iota3A : vector<16xi32>
    %add3A_246 = arith.constant 336 : i32
    %add3A_247 = vector.broadcast %add3A_246 : i32 to vector<16xi32>
    %add3A_248 = arith.addi %add3A_247, %iota3A : vector<16xi32>
    %gather3A_249 = tpu.vector_load_idx %arg8[%add3A_248, %add3A_245] : memref<512x128xf32, #tpu.memory_space<vmem>>[vector<16xi32>, vector<16xi32>], vector<16xf32>,
    %get3A_250 = arith.constant 336 : index
    %get3A_251 = tpu.vector_load %arg7[%get3A_250] {strides = array<i32>} : memref<512xf32, #tpu.memory_space<vmem>>, vector<16xf32>,
    %mul3A_252 = arith.mulf %gather3A_249, %get3A_251 : vector<16xf32>
    %add3A_253 = arith.addf %add3A_242, %mul3A_252 : vector<16xf32>
    %add3A_254 = arith.constant 96 : i32
    %add3A_255 = vector.broadcast %add3A_254 : i32 to vector<16xi32>
    %add3A_256 = arith.addi %add3A_255, %iota3A : vector<16xi32>
    %add3A_257 = arith.constant 352 : i32
    %add3A_258 = vector.broadcast %add3A_257 : i32 to vector<16xi32>
    %add3A_259 = arith.addi %add3A_258, %iota3A : vector<16xi32>
    %gather3A_260 = tpu.vector_load_idx %arg8[%add3A_259, %add3A_256] : memref<512x128xf32, #tpu.memory_space<vmem>>[vector<16xi32>, vector<16xi32>], vector<16xf32>,
    %get3A_261 = arith.constant 352 : index
    %get3A_262 = tpu.vector_load %arg7[%get3A_261] {strides = array<i32>} : memref<512xf32, #tpu.memory_space<vmem>>, vector<16xf32>,
    %mul3A_263 = arith.mulf %gather3A_260, %get3A_262 : vector<16xf32>
    %add3A_264 = arith.addf %add3A_253, %mul3A_263 : vector<16xf32>
    %add3A_265 = arith.constant 112 : i32
    %add3A_266 = vector.broadcast %add3A_265 : i32 to vector<16xi32>
    %add3A_267 = arith.addi %add3A_266, %iota3A : vector<16xi32>
    %add3A_268 = arith.constant 368 : i32
    %add3A_269 = vector.broadcast %add3A_268 : i32 to vector<16xi32>
    %add3A_270 = arith.addi %add3A_269, %iota3A : vector<16xi32>
    %gather3A_271 = tpu.vector_load_idx %arg8[%add3A_270, %add3A_267] : memref<512x128xf32, #tpu.memory_space<vmem>>[vector<16xi32>, vector<16xi32>], vector<16xf32>,
    %get3A_272 = arith.constant 368 : index
    %get3A_273 = tpu.vector_load %arg7[%get3A_272] {strides = array<i32>} : memref<512xf32, #tpu.memory_space<vmem>>, vector<16xf32>,
    %mul3A_274 = arith.mulf %gather3A_271, %get3A_273 : vector<16xf32>
    %add3A_275 = arith.addf %add3A_264, %mul3A_274 : vector<16xf32>
    %add3A_276 = arith.constant 0 : i32
    %add3A_277 = vector.broadcast %add3A_276 : i32 to vector<16xi32>
    %add3A_278 = arith.addi %add3A_277, %iota3A : vector<16xi32>
    %add3A_279 = arith.constant 384 : i32
    %add3A_280 = vector.broadcast %add3A_279 : i32 to vector<16xi32>
    %add3A_281 = arith.addi %add3A_280, %iota3A : vector<16xi32>
    %gather3A_282 = tpu.vector_load_idx %arg8[%add3A_281, %add3A_278] : memref<512x128xf32, #tpu.memory_space<vmem>>[vector<16xi32>, vector<16xi32>], vector<16xf32>,
    %get3A_283 = arith.constant 384 : index
    %get3A_284 = tpu.vector_load %arg7[%get3A_283] {strides = array<i32>} : memref<512xf32, #tpu.memory_space<vmem>>, vector<16xf32>,
    %mul3A_285 = arith.mulf %gather3A_282, %get3A_284 : vector<16xf32>
    %add3A_286 = arith.addf %add3A_275, %mul3A_285 : vector<16xf32>
    %add3A_287 = arith.constant 16 : i32
    %add3A_288 = vector.broadcast %add3A_287 : i32 to vector<16xi32>
    %add3A_289 = arith.addi %add3A_288, %iota3A : vector<16xi32>
    %add3A_290 = arith.constant 400 : i32
    %add3A_291 = vector.broadcast %add3A_290 : i32 to vector<16xi32>
    %add3A_292 = arith.addi %add3A_291, %iota3A : vector<16xi32>
    %gather3A_293 = tpu.vector_load_idx %arg8[%add3A_292, %add3A_289] : memref<512x128xf32, #tpu.memory_space<vmem>>[vector<16xi32>, vector<16xi32>], vector<16xf32>,
    %get3A_294 = arith.constant 400 : index
    %get3A_295 = tpu.vector_load %arg7[%get3A_294] {strides = array<i32>} : memref<512xf32, #tpu.memory_space<vmem>>, vector<16xf32>,
    %mul3A_296 = arith.mulf %gather3A_293, %get3A_295 : vector<16xf32>
    %add3A_297 = arith.addf %add3A_286, %mul3A_296 : vector<16xf32>
    %add3A_298 = arith.constant 32 : i32
    %add3A_299 = vector.broadcast %add3A_298 : i32 to vector<16xi32>
    %add3A_300 = arith.addi %add3A_299, %iota3A : vector<16xi32>
    %add3A_301 = arith.constant 416 : i32
    %add3A_302 = vector.broadcast %add3A_301 : i32 to vector<16xi32>
    %add3A_303 = arith.addi %add3A_302, %iota3A : vector<16xi32>
    %gather3A_304 = tpu.vector_load_idx %arg8[%add3A_303, %add3A_300] : memref<512x128xf32, #tpu.memory_space<vmem>>[vector<16xi32>, vector<16xi32>], vector<16xf32>,
    %get3A_305 = arith.constant 416 : index
    %get3A_306 = tpu.vector_load %arg7[%get3A_305] {strides = array<i32>} : memref<512xf32, #tpu.memory_space<vmem>>, vector<16xf32>,
    %mul3A_307 = arith.mulf %gather3A_304, %get3A_306 : vector<16xf32>
    %add3A_308 = arith.addf %add3A_297, %mul3A_307 : vector<16xf32>
    %add3A_309 = arith.constant 48 : i32
    %add3A_310 = vector.broadcast %add3A_309 : i32 to vector<16xi32>
    %add3A_311 = arith.addi %add3A_310, %iota3A : vector<16xi32>
    %add3A_312 = arith.constant 432 : i32
    %add3A_313 = vector.broadcast %add3A_312 : i32 to vector<16xi32>
    %add3A_314 = arith.addi %add3A_313, %iota3A : vector<16xi32>
    %gather3A_315 = tpu.vector_load_idx %arg8[%add3A_314, %add3A_311] : memref<512x128xf32, #tpu.memory_space<vmem>>[vector<16xi32>, vector<16xi32>], vector<16xf32>,
    %get3A_316 = arith.constant 432 : index
    %get3A_317 = tpu.vector_load %arg7[%get3A_316] {strides = array<i32>} : memref<512xf32, #tpu.memory_space<vmem>>, vector<16xf32>,
    %mul3A_318 = arith.mulf %gather3A_315, %get3A_317 : vector<16xf32>
    %add3A_319 = arith.addf %add3A_308, %mul3A_318 : vector<16xf32>
    %add3A_320 = arith.constant 64 : i32
    %add3A_321 = vector.broadcast %add3A_320 : i32 to vector<16xi32>
    %add3A_322 = arith.addi %add3A_321, %iota3A : vector<16xi32>
    %add3A_323 = arith.constant 448 : i32
    %add3A_324 = vector.broadcast %add3A_323 : i32 to vector<16xi32>
    %add3A_325 = arith.addi %add3A_324, %iota3A : vector<16xi32>
    %gather3A_326 = tpu.vector_load_idx %arg8[%add3A_325, %add3A_322] : memref<512x128xf32, #tpu.memory_space<vmem>>[vector<16xi32>, vector<16xi32>], vector<16xf32>,
    %get3A_327 = arith.constant 448 : index
    %get3A_328 = tpu.vector_load %arg7[%get3A_327] {strides = array<i32>} : memref<512xf32, #tpu.memory_space<vmem>>, vector<16xf32>,
    %mul3A_329 = arith.mulf %gather3A_326, %get3A_328 : vector<16xf32>
    %add3A_330 = arith.addf %add3A_319, %mul3A_329 : vector<16xf32>
    %add3A_331 = arith.constant 80 : i32
    %add3A_332 = vector.broadcast %add3A_331 : i32 to vector<16xi32>
    %add3A_333 = arith.addi %add3A_332, %iota3A : vector<16xi32>
    %add3A_334 = arith.constant 464 : i32
    %add3A_335 = vector.broadcast %add3A_334 : i32 to vector<16xi32>
    %add3A_336 = arith.addi %add3A_335, %iota3A : vector<16xi32>
    %gather3A_337 = tpu.vector_load_idx %arg8[%add3A_336, %add3A_333] : memref<512x128xf32, #tpu.memory_space<vmem>>[vector<16xi32>, vector<16xi32>], vector<16xf32>,
    %get3A_338 = arith.constant 464 : index
    %get3A_339 = tpu.vector_load %arg7[%get3A_338] {strides = array<i32>} : memref<512xf32, #tpu.memory_space<vmem>>, vector<16xf32>,
    %mul3A_340 = arith.mulf %gather3A_337, %get3A_339 : vector<16xf32>
    %add3A_341 = arith.addf %add3A_330, %mul3A_340 : vector<16xf32>
    %add3A_342 = arith.constant 96 : i32
    %add3A_343 = vector.broadcast %add3A_342 : i32 to vector<16xi32>
    %add3A_344 = arith.addi %add3A_343, %iota3A : vector<16xi32>
    %add3A_345 = arith.constant 480 : i32
    %add3A_346 = vector.broadcast %add3A_345 : i32 to vector<16xi32>
    %add3A_347 = arith.addi %add3A_346, %iota3A : vector<16xi32>
    %gather3A_348 = tpu.vector_load_idx %arg8[%add3A_347, %add3A_344] : memref<512x128xf32, #tpu.memory_space<vmem>>[vector<16xi32>, vector<16xi32>], vector<16xf32>,
    %get3A_349 = arith.constant 480 : index
    %get3A_350 = tpu.vector_load %arg7[%get3A_349] {strides = array<i32>} : memref<512xf32, #tpu.memory_space<vmem>>, vector<16xf32>,
    %mul3A_351 = arith.mulf %gather3A_348, %get3A_350 : vector<16xf32>
    %add3A_352 = arith.addf %add3A_341, %mul3A_351 : vector<16xf32>
    %add3A_353 = arith.constant 112 : i32
    %add3A_354 = vector.broadcast %add3A_353 : i32 to vector<16xi32>
    %add3A_355 = arith.addi %add3A_354, %iota3A : vector<16xi32>
    %add3A_356 = arith.constant 496 : i32
    %add3A_357 = vector.broadcast %add3A_356 : i32 to vector<16xi32>
    %add3A_358 = arith.addi %add3A_357, %iota3A : vector<16xi32>
    %gather3A_359 = tpu.vector_load_idx %arg8[%add3A_358, %add3A_355] : memref<512x128xf32, #tpu.memory_space<vmem>>[vector<16xi32>, vector<16xi32>], vector<16xf32>,
    %get3A_360 = arith.constant 496 : index
    %get3A_361 = tpu.vector_load %arg7[%get3A_360] {strides = array<i32>} : memref<512xf32, #tpu.memory_space<vmem>>, vector<16xf32>,
    %mul3A_362 = arith.mulf %gather3A_359, %get3A_361 : vector<16xf32>
    %add3A_363 = arith.addf %add3A_352, %mul3A_362 : vector<16xf32>
    %swap3A = arith.constant 0 : index
    %swap3A_364 = tpu.vector_load %arg9[%swap3A] {strides = array<i32>} : memref<16xf32, #tpu.memory_space<vmem>>, vector<16xf32>,
    tpu.vector_store %arg9[%swap3A], %add3A_363 {strides = array<i32>} : memref<16xf32, #tpu.memory_space<vmem>>, vector<16xf32>,
    %mul3A_365 = arith.constant 16 : i32
    %mul3A_366 = arith.muli %add3A, %mul3A_365 : i32
    "tpu.region"() ({
      %run_scoped3A = tpu.sem_alloc : memref<!tpu.dma_semaphore, #tpu.memory_space<semaphore_mem>>
      %dma_start3A = tpu.memref_slice %arg5[%mul3A_366] : memref<512xf32, #tpu.memory_space<hbm>> -> memref<16xf32, #tpu.memory_space<hbm>>
      %dma_start3A_367 = tpu.memref_slice %arg5[%mul3A_366] : memref<512xf32, #tpu.memory_space<hbm>> -> memref<16xf32, #tpu.memory_space<hbm>>
      tpu.enqueue_dma source(%arg9 : memref<16xf32, #tpu.memory_space<vmem>>) target(%dma_start3A_367 : memref<16xf32, #tpu.memory_space<hbm>>) target_semaphore(%run_scoped3A : memref<!tpu.dma_semaphore, #tpu.memory_space<semaphore_mem>>)
      %dma_wait3A_368 = tpu.memref_slice %arg5[%mul3A_366] : memref<512xf32, #tpu.memory_space<hbm>> -> memref<16xf32, #tpu.memory_space<hbm>>
      %dma_wait3A_369 = tpu.memref_slice %arg5[%mul3A_366] : memref<512xf32, #tpu.memory_space<hbm>> -> memref<16xf32, #tpu.memory_space<hbm>>
      tpu.wait_dma2 semaphore(%run_scoped3A : memref<!tpu.dma_semaphore, #tpu.memory_space<semaphore_mem>>) src(%arg9 : memref<16xf32, #tpu.memory_space<vmem>>) dst(%dma_wait3A_369 : memref<16xf32, #tpu.memory_space<hbm>>)
      tpu.yield
    }) : () -> ()
    return
  }
}

</mosaic_0001>

<sc_bundles>
// kernel: kernel.3.cloned.1.call-start
scs
__scs_entry_jumppad:
0x0: {  	(pc) =	sbr.rel $0x88, $3  }
0x1: {  	(tag) =	ssettag $0x0;
	lr =	simm.s32 $0x1  }
0x2: {  	[smem:$0x3F9E] =	sst lr;
	_ =	strace $0xD0000000  }
0x3: {  	_ = 	snop  }
0x4: {  	_ = 	snop  }
0x5: {  	_ = 	snop  }
0x6: {  	_ = 	snop  }
0x7: {  	_ = 	snop  }
__scs_overlays_trampoline_lowered:
0x8: {  	[smem:$0x3FAD] =	sst s0  }
0x9: {  	[smem:$0x3FAE] =	sst s1  }
0xa: {  	[smem:$0x3FAF] =	sst s2  }
0xb: {  	[smem:$0x3FB0] =	sst s3  }
0xc: {  	[smem:$0x3FB1] =	sst s4  }
0xd: {  	[smem:$0x3FB2] =	sst s5  }
0xe: {  	[smem:$0x3FB3] =	sst s6  }
0xf: {  	[smem:$0x3FB4] =	sst s7  }
0x10: {  	[smem:$0x3FB5] =	sst s8  }
0x11: {  	[smem:$0x3FB6] =	sst s9;
	s0 =	simm.s32 @!p0 $0x0  }
0x12: {  	s1 =	sld [smem:$0x3F9C];
	s0 =	simm.s32 @p0 $0x1  }
0x13: {  	[smem:$0x3FB7] =	sst s0;
	s0 =	simm.s32 @!p1 $0x0  }
0x14: {  	s2 =	sld [smem:$0x3F9B];
	s0 =	simm.s32 @p1 $0x1  }
0x15: {  	[smem:$0x3FB8] =	sst s0;
	s0 =	simm.s32 @!p2 $0x0  }
0x16: {  	s3 =	sld [smem:$0x3FDB];
	s0 =	simm.s32 @p2 $0x1  }
0x17: {  	s4 =	simm.s32 $0x1BF5;
	[smem:$0x3FBA] =	sst s0  }
0x18: {  	s0 =	sld [smem:$0x3F9D];
	_ =	swait.ge [sflag:s4], $0x0  }
0x19: {  	s7 =	sld [smem:$0x3F9E]  }
0x1a: {  	s8 =	sadd.s32 $0xFFFFE003, lr  }
0x1b: {  	s9 =	sadd.s32 $0xFFFFFEF7, lr;
	s5 =	simm.s32 $0xFFFFFFFF;
	p2 =	slt.u32 s8, $0xFFFFF086  }
0x1c: {  	p1 =	slt.u32 s9, $0xF7A;
	s5 =	simm.s32 @!p2 $0x0  }
0x1d: {  	s5 =	simm.s32 @p1 $0x1;
	p0 =	seq.s32 s7, s2  }
0x1e: {  	s7 =	smul.u32 @!p0 $0xF7A, s2;
	p2 =	seq.s32 @!p0 s5, $0x0  }
0x1f: {  	s9 =	smul.u32 $0xF7A, s1;
	s8 =	simm.s32 @!p0 $0x1BF5;
	p2 =	por !p2, p0  }
0x20: {  	[sflag:s8] =	ssyncset.s32 @!p0 $0xFFFFF086;
	s6 =	sadd.s32 @!p0 s3, s7;
	s7 =	simm.s32 @!p0 $0x108  }
0x21: {  	s3 =	sadd.s32 s3, s9;
	s6 =	sadd.s32 @!p0 $0x88, s6;
	s7 =	simm.s32 @p2 $0x1082  }
0x22: {  	[simem:s7], [sflag:s8] =	dma.local @!p0 [hbm:s6], $0xF7A  }
0x23: {  	s9 =	sor.u32 $0xD0000000, s2;
	s6 =	simm.s32 $0x108;
	_ =	swait.ge @!p0 [sflag:s8], $0x0  }
0x24: {  	s3 =	sadd.s32 $0x88, s3;
	s6 =	simm.s32 @!p1 $0x1082;
	[sflag:s4] =	ssyncset.s32 $0xFFFFF086  }
0x25: {  	[simem:s6], [sflag:s4] =	dma.local [hbm:s3], $0xF7A  }
0x26: {  	[smem:$0x3F9E] =	sst s1;
	(tag) =	ssettag s2;
	_ =	strace s9  }
0x27: {  	s1 =	sld [smem:$0x3FAE]  }
0x28: {  	s2 =	sld [smem:$0x3FAF]  }
0x29: {  	s4 =	sld [smem:$0x3FB1]  }
0x2a: {  	p0 =	seq.s32 s5, $0x0;
	s5 =	sld [smem:$0x3FB2]  }
0x2b: {  	s6 =	sld [smem:$0x3FB3]  }
0x2c: {  	s7 =	sld [smem:$0x3FB4]  }
0x2d: {  	s3 =	simm.s32 $0x108;
	s8 =	sld [smem:$0x3FB5]  }
0x2e: {  	s3 =	simm.s32 @!p0 $0x1082;
	s9 =	sld [smem:$0x3FB6]  }
0x2f: {  	lr =	sadd.s32 s0, s3;
	s0 =	sld [smem:$0x3FAD]  }
0x30: {  	s3 =	sld [smem:$0x3FB0]  }
0x31: {  	[smem:$0x3FB9] =	sst s10  }
0x32: {  	s10 =	sld [smem:$0x3FB7];
	_ =	sdelay $0x3  }
0x33: {  	p0 =	seq.s32 s10, $0x1;
	s10 =	sld [smem:$0x3FB9];
	_ =	sdelay $0x3  }
0x34: {  	[smem:$0x3FB9] =	sst s10  }
0x35: {  	s10 =	sld [smem:$0x3FB8];
	_ =	sdelay $0x3  }
0x36: {  	p1 =	seq.s32 s10, $0x1;
	s10 =	sld [smem:$0x3FB9];
	_ =	sdelay $0x3  }
0x37: {  	[smem:$0x3FB9] =	sst s10  }
0x38: {  	s10 =	sld [smem:$0x3FBA]  }
0x39: {  	_ = 	snop;
	(pc) =	sbr.ind lr, $3  }
0x3a: {  	_ = 	snop  }
0x3b: {  	_ = 	snop  }
0x3c: {  	p2 =	seq.s32 s10, $0x1;
	s10 =	sld [smem:$0x3FB9]  }
0x3d: {  	_ =	shalt  }
0x3e: {  	_ =	shalt  }
0x3f: {  	_ =	shalt  }
0x40: {  	_ =	shalt  }
0x41: {  	_ =	shalt  }
0x42: {  	_ =	shalt  }
0x43: {  	_ =	shalt  }
0x44: {  	_ =	shalt  }
0x45: {  	_ =	shalt  }
0x46: {  	_ =	shalt  }
0x47: {  	_ =	shalt  }
0x48: {  	_ =	shalt  }
0x49: {  	_ =	shalt  }
0x4a: {  	_ =	shalt  }
0x4b: {  	_ =	shalt  }
0x4c: {  	_ =	shalt  }
0x4d: {  	_ =	shalt  }
0x4e: {  	_ =	shalt  }
0x4f: {  	_ =	shalt  }
0x50: {  	_ =	shalt  }
0x51: {  	_ =	shalt  }
0x52: {  	_ =	shalt  }
0x53: {  	_ =	shalt  }
0x54: {  	_ =	shalt  }
0x55: {  	_ =	shalt  }
0x56: {  	_ =	shalt  }
0x57: {  	_ =	shalt  }
0x58: {  	_ =	shalt  }
0x59: {  	_ =	shalt  }
0x5a: {  	_ =	shalt  }
0x5b: {  	_ =	shalt  }
0x5c: {  	_ =	shalt  }
0x5d: {  	_ =	shalt  }
0x5e: {  	_ =	shalt  }
0x5f: {  	_ =	shalt  }
0x60: {  	_ =	shalt  }
0x61: {  	_ =	shalt  }
0x62: {  	_ =	shalt  }
0x63: {  	_ =	shalt  }
0x64: {  	_ =	shalt  }
0x65: {  	_ =	shalt  }
0x66: {  	_ =	shalt  }
0x67: {  	_ =	shalt  }
0x68: {  	_ =	shalt  }
0x69: {  	_ =	shalt  }
0x6a: {  	_ =	shalt  }
0x6b: {  	_ =	shalt  }
0x6c: {  	_ =	shalt  }
0x6d: {  	_ =	shalt  }
0x6e: {  	_ =	shalt  }
0x6f: {  	_ =	shalt  }
0x70: {  	_ =	shalt  }
0x71: {  	_ =	shalt  }
0x72: {  	_ =	shalt  }
0x73: {  	_ =	shalt  }
0x74: {  	_ =	shalt  }
0x75: {  	_ =	shalt  }
0x76: {  	_ =	shalt  }
0x77: {  	_ =	shalt  }
0x78: {  	_ =	shalt  }
0x79: {  	_ =	shalt  }
0x7a: {  	_ =	shalt  }
0x7b: {  	_ =	shalt  }
0x7c: {  	_ =	shalt  }
0x7d: {  	_ =	shalt  }
0x7e: {  	_ =	shalt  }
0x7f: {  	_ =	shalt  }
0x80: {  	_ =	shalt  }
0x81: {  	_ =	shalt  }
0x82: {  	_ =	shalt  }
0x83: {  	_ =	shalt  }
0x84: {  	_ =	shalt  }
0x85: {  	_ =	shalt  }
0x86: {  	_ =	shalt  }
0x87: {  	_ =	shalt  }
.Lfunc_end0:
.L_simem_size_0:
called_computation_lowered:
.L_overlay_start_0:
0x88: {  	s2 =	sld [smem:$0x3FD9]  }
0x89: {  	s3 =	sld [smem:$0x3FFE];
	_ =	sdelay $0x1  }
0x8a: {  	s1 =	srdreg.scid  }
0x8b: {  	s0 =	sand.u32 $0x1, s1  }
0x8c: {  	s17 =	sshll.u32 s0, $0xA;
	s2 =	sadd.s32 s3, s2  }
0x8d: {  	s2 =	sadd.s32 s2, s17  }
0x8e: {  	[smem:$0x3FC5] =	sst s2  }
0x8f: {  	_ = 	snop  }
0x90: {  	s2 =	sld [smem:$0x3FC9]  }
0x91: {  	s18 =	sld [smem:$0x3FC8]  }
0x92: {  	s4 =	sld [smem:$0x3FC7];
	(tm) =	ssettm $0x1  }
0x93: {  	s5 =	sld [smem:$0x3FFB];
	_ =	sdelay $0x3  }
0x94: {  	_ =	strace s5  }
0x95: {  	s5 =	sld [smem:$0x3FFC];
	_ =	sdelay $0x3  }
0x96: {  	_ =	strace s5  }
0x97: {  	s5 =	sld [smem:$0x3FFD];
	_ =	sdelay $0x3  }
0x98: {  	_ =	strace s5  }
0x99: {  	_ =	strace $0x8FFFFFFF  }
0x9a: {  	s19 =	sld [smem:$0x3FDB];
	_ =	sdelay $0x1  }
0x9b: {  	s6 =	simm.s32 $_scs_section_size  }
0x9c: {  	s7 =	simm.s32 $_size__tile_overlayer_lowered;
	s8 =	simm.s32 $_tile_overlayer_lowered  }
0x9d: {  	s22 =	simm.s32 $0x1BFF;
	s21 =	sshll.u32 s8, $0x1;
	s5 =	sadd.s32 s6, s19  }
0x9e: {  	s9 =	simm.s32 $0x0;
	s20 =	sshll.u32 s7, $0x1;
	s7 =	sadd.s32 s21, s5  }
0x9f: {  	[timem:s9], [sflag:s22] =	dma.local [hbm:s7], s20  }
0xa0: {  	_ =	swait.ge [sflag:s22], s20  }
0xa1: {  	s6 =	ssub.s32 $0x0, s20;
	[sflag:s22] =	ssyncset.done $0x0  }
0xa2: {  	[sflag:s22] =	ssyncadd.s32 s6;
	_ =	sdelay $0x1  }
0xa3: {  	s23 =	simm.s32 $0x1B8B  }
0xa4: {  	_ =	swait.ge [sflag:s23], $0x1  }
0xa5: {  	[sflag:s23] =	ssyncset.done $0x0  }
0xa6: {  	s25 =	simm.s32 $0x1B8E;
	s24 =	sld [smem:$0x3FFE];
	[sflag:s23] =	ssyncadd.s32 $0xFFFFFFFF  }
0xa7: {  	s26 =	simm.s32 $execute0_lowered;
	[smem:$0x3FD2] =	sst s25  }
0xa8: {  	s7 =	sshll.u32 s26, $0x1;
	_ =	strace $0x80000046;
	[dreg:$0x1] =	wrdreg $0xFFFFFFFF  }
0xa9: {  	s28 =	simm.s32 $_size_execute0_lowered;
	s5 =	sadd.s32 s5, s7;
	[dreg:$0x0] =	wrdreg $0x0  }
0xaa: {  	s7 =	sshll.u32 s28, $0x1;
	[dreg:$0x2] =	wrdreg s5  }
0xab: {  	[dreg:$0x3] =	wrdreg s7  }
0xac: {  	[dreg:$0x4] =	wrdreg $0xC0  }
0xad: {  	_ =	task [dreg:s9], $0x5FFFF  }
0xae: {  	[dreg:$0x1] =	wrdreg $0xFFFFFFFF  }
0xaf: {  	[dreg:$0x0] =	wrdreg $0x60  }
0xb0: {  	[dreg:$0x2] =	wrdreg s2  }
0xb1: {  	[dreg:$0x3] =	wrdreg s18  }
0xb2: {  	[dreg:$0x4] =	wrdreg s4  }
0xb3: {  	[dreg:$0x5] =	wrdreg s24  }
0xb4: {  	[dreg:$0x6] =	wrdreg $0x9  }
0xb5: {  	_ =	task.clear_ibuf [dreg:s9], $0x7FFFF;
	_ =	strace $0x90000046  }
0xb6: {  	s29 =	simm.s32 $0x9;
	_ =	strace $0x80000048  }
0xb7: {  	_ =	swait.ge [sflag:s29], $0x1  }
0xb8: {  	[sflag:s29] =	ssyncadd.s32 $0xFFFFFFFF  }
0xb9: {  	_ =	strace $0x90000048  }
0xba: {  	_ =	sfence  }
0xbb: {  	s30 =	sld [smem:$0x0];
	_ =	sdelay $0x2  }
0xbc: {  	s31 =	sshll.u32 s1, $0xD;
	s1 =	sshrl.u32 s1, $0x2  }
0xbd: {  	s3 =	sand.u32 $0x4000, s31;
	s1 =	sadd.s32 s1, s30  }
0xbe: {  	s0 =	sor.u32 s3, s0;
	s1 =	sshll.u32 s1, $0x11  }
0xbf: {  	s0 =	sor.u32 s1, s0  }
0xc0: {  	s0 =	sadd.s32 $0x8F2B, s0  }
0xc1: {  	[sflag:s0] =	ssyncadd.remote.s32 $0x1  }
0xc2: {  	_ =	sfence.sel $0xFFFF  }
0xc3: {  	[dreg:$0x0] =	wrdreg $0xFFFFFFFF;
	(pc) =	sbr.abs _section_cstart, $3  }
0xc4: {  	[dreg:$0x1] =	wrdreg $0xFFFFFFFF  }
0xc5: {  	_ =	task.clear_ibuf [dreg:s9], $0x2FFFF;
	_ =	strace $0x9FFFFFFF  }
0xc6: {  	(tm) =	ssettm $0x7FFFFFFF  }
0xc7: {  	_ =	shalt  }
tec
execute0_lowered:
.L_overlay_start_1:
0x0: {  	(tag) =	ssettag $0x1  }
0x1: {  	v0 =	vlaneseq.u32  }
0x2: {  	s0 =	rddreg [dreg:$0x0];
	v0 =	vmul.u32 $0x81, v0  }
0x3: {  	s4 =	rddreg [dreg:$0x1]  }
0x4: {  	s5 =	rddreg [dreg:$0x2];
	v1 =	vadd.s32 $0x810, v0  }
0x5: {  	s6 =	rddreg [dreg:$0x3];
	v2 =	vadd.s32 $0x1020, v0;
	v3 =	vadd.s32 $0x1830, v0;
	v4 =	vadd.s32 $0x2040, v0  }
0x6: {  	s3 =	srdreg.scid;
	s1 =	stileid.u32;
	v5 =	vadd.s32 $0x2850, v0;
	v6 =	vadd.s32 $0x3060, v0;
	v7 =	vadd.s32 $0x3870, v0  }
0x7: {  	s2 =	rddreg [dreg:$0x4];
	s11 =	simm.s32 $0x480;
	s12 =	simm.s32 $0x10480;
	v8 =	vor.u32 $0x4000, v0;
	v9 =	vadd.s32 $0x4810, v0;
	v10 =	vadd.s32 $0x5020, v0  }
0x8: {  	s13 =	simm.s32 $0x0;
	s7 =	sand.u32 $0x1, s3;
	s8 =	sshll.u32 s1, $0x1;
	v11 =	vadd.s32 $0x5830, v0;
	v12 =	vadd.s32 $0x6040, v0;
	v13 =	vadd.s32 $0x6850, v0  }
0x9: {  	s3 =	simm.s32 $0x0;
	s9 =	ssub.s32 $0x2, s7;
	s7 =	sor.u32 s7, s8;
	v14 =	vadd.s32 $0x7060, v0;
	v15 =	vadd.s32 $0x7870, v0;
	v16 =	vor.u32 $0x8000, v0  }
0xa: {  	[smem:$0x7FF] =	sst s3;
	s30 =	sshrl.u32 s9, $0x1;
	s10 =	sshll.u32 s7, $0x6;
	v17 =	vadd.s32 $0x8810, v0;
	v18 =	vadd.s32 $0x9020, v0;
	v19 =	vadd.s32 $0x9830, v0  }
0xb: {  	_ =	strace $0x80000047;
	s31 =	sshll.u32 s7, $0xC;
	s7 =	sshll.u32 s7, $0x1;
	v20 =	vadd.s32 $0xA040, v0;
	v21 =	vadd.s32 $0xA850, v0;
	v22 =	vadd.s32 $0xB060, v0  }
0xc: {  	v23 =	vadd.s32 $0xB870, v0;
	v24 =	vor.u32 $0xC000, v0;
	v25 =	vadd.s32 $0xC810, v0;
	s8 =	ssub.s32 s9, s30;
	s4 =	sadd.s32 s4, s10;
	s5 =	sadd.s32 s5, s10  }
0xd: {  	v26 =	vadd.s32 $0xD020, v0;
	v27 =	vadd.s32 $0xD830, v0;
	v28 =	vadd.s32 $0xE040, v0;
	[dreg:$0x5] =	wrdreg s31;
	s6 =	sadd.s32 s6, s7;
	s9 =	simm.s32 $0x280  }
0xe: {  	v29 =	vadd.s32 $0xE850, v0;
	v30 =	vadd.s32 $0xF060, v0;
	v31 =	vadd.s32 $0xF870, v0;
	s10 =	simm.s32 $0x1;
	s7 =	smax.u32 s8, $0x1;
	s8 =	simm.s32 $0x2  }
.LBB2_1:
0xf: {  	[tilespmem:s3], [sflag:$0x2] =	stream.linear.gather [hbm4b:s4+s3], $0x200, $0x38;
	[tilespmem:$0x10500] =	vst v63  }
0x10: {  	_ =	swait.ge [sflag:s8], $0x200  }
0x11: {  	[sflag:s8] =	ssyncset.done $0x0  }
0x12: {  	[sflag:s8] =	ssyncadd.s32 $0xFFFFFE00  }
0x13: {  	[tilespmem:s9], [sflag:$0x2] =	stream.linear.gather [hbm4b:s5+s3], $0x200, $0x38;
	[tilespmem:$0x10500] =	vst v63  }
0x14: {  	_ =	swait.ge [sflag:s8], $0x200  }
0x15: {  	[sflag:s8] =	ssyncset.done $0x0  }
0x16: {  	s14 =	simm.s32 $0x4;
	[sflag:s8] =	ssyncadd.s32 $0xFFFFFE00  }
0x17: {  	v32 =	vld [tilespmem:s14+$0xFFFFFFFC];
	_ =	sdelay $0x4  }
0x18: {  	(v2sf) =	vpush v32, $0x0;
	_ =	sdelay $0xe  }
0x19: {  	s16 =	spop (v2sf)  }
0x1a: {  	s18 =	sand.u32 $0xC00, s3;
	s17 =	sshll.u32 s16, $0xE;
	s16 =	sshll.u32 s16, $0x7  }
0x1b: {  	s15 =	rddreg [dreg:$0x5];
	s17 =	sand.u32 $0xFFFE0000, s17;
	s16 =	sand.u32 $0x380, s16  }
0x1c: {  	s15 =	sor.u32 s15, s18;
	s16 =	sor.u32 s17, s16  }
0x1d: {  	s16 =	sor.u32 s15, s16  }
0x1e: {  	s16 =	sshrl.u32 s16, $0x3  }
0x1f: {  	s22 =	simm.s32 $0x480;
	s16 =	sadd.s32 s0, s16  }
0x20: {  	[tilespmem:s22], [sflag:$0x1] =	stream.linear.gather [hbm4b:s16+s3], $0x80, $0x38;
	[tilespmem:$0x10500] =	vst v63  }
0x21: {  	v57 =	vld [tilespmem:s14+$0xFFFFFFFD];
	_ =	sdelay $0x4  }
0x22: {  	(v2sf) =	vpush v57, $0x0;
	_ =	sdelay $0xe  }
0x23: {  	s23 =	spop (v2sf)  }
0x24: {  	s24 =	sshll.u32 s23, $0xE;
	s16 =	sshll.u32 s23, $0x7  }
0x25: {  	s17 =	sand.u32 $0xFFFE0000, s24;
	s16 =	sand.u32 $0x380, s16  }
0x26: {  	s16 =	sor.u32 s17, s16  }
0x27: {  	s16 =	sor.u32 s15, s16  }
0x28: {  	s16 =	sshrl.u32 s16, $0x3  }
0x29: {  	s25 =	simm.s32 $0x500;
	s16 =	sadd.s32 s0, s16  }
0x2a: {  	[tilespmem:s25], [sflag:$0x1] =	stream.linear.gather [hbm4b:s16+s3], $0x80, $0x38;
	[tilespmem:$0x10500] =	vst v63  }
0x2b: {  	v58 =	vld [tilespmem:s14+$0xFFFFFFFE];
	_ =	sdelay $0x4  }
0x2c: {  	(v2sf) =	vpush v58, $0x0;
	_ =	sdelay $0xe  }
0x2d: {  	s26 =	spop (v2sf)  }
0x2e: {  	s28 =	sshll.u32 s26, $0xE;
	s16 =	sshll.u32 s26, $0x7  }
0x2f: {  	s17 =	sand.u32 $0xFFFE0000, s28;
	s16 =	sand.u32 $0x380, s16  }
0x30: {  	s16 =	sor.u32 s17, s16  }
0x31: {  	s16 =	sor.u32 s15, s16  }
0x32: {  	s16 =	sshrl.u32 s16, $0x3  }
0x33: {  	s29 =	simm.s32 $0x580;
	s16 =	sadd.s32 s0, s16  }
0x34: {  	[tilespmem:s29], [sflag:$0x1] =	stream.linear.gather [hbm4b:s16+s3], $0x80, $0x38;
	[tilespmem:$0x10500] =	vst v63  }
0x35: {  	v59 =	vld [tilespmem:s14+$0xFFFFFFFF];
	_ =	sdelay $0x4  }
0x36: {  	(v2sf) =	vpush v59, $0x0;
	_ =	sdelay $0xe  }
0x37: {  	s30 =	spop (v2sf)  }
0x38: {  	s31 =	sshll.u32 s30, $0xE;
	s16 =	sshll.u32 s30, $0x7  }
0x39: {  	s17 =	sand.u32 $0xFFFE0000, s31;
	s16 =	sand.u32 $0x380, s16  }
0x3a: {  	s16 =	sor.u32 s17, s16  }
0x3b: {  	s16 =	sor.u32 s15, s16  }
0x3c: {  	s16 =	sshrl.u32 s16, $0x3  }
0x3d: {  	s18 =	simm.s32 $0x600;
	s16 =	sadd.s32 s0, s16  }
0x3e: {  	[tilespmem:s18], [sflag:$0x1] =	stream.linear.gather [hbm4b:s16+s3], $0x80, $0x38;
	[tilespmem:$0x10500] =	vst v63  }
0x3f: {  	v60 =	vld [tilespmem:s14+$0x0];
	_ =	sdelay $0x4  }
0x40: {  	(v2sf) =	vpush v60, $0x0;
	_ =	sdelay $0xe  }
0x41: {  	s19 =	spop (v2sf)  }
0x42: {  	s20 =	sshll.u32 s19, $0xE;
	s16 =	sshll.u32 s19, $0x7  }
0x43: {  	s17 =	sand.u32 $0xFFFE0000, s20;
	s16 =	sand.u32 $0x380, s16  }
0x44: {  	s16 =	sor.u32 s17, s16  }
0x45: {  	s16 =	sor.u32 s15, s16  }
0x46: {  	s16 =	sshrl.u32 s16, $0x3  }
0x47: {  	s21 =	simm.s32 $0x680;
	s16 =	sadd.s32 s0, s16  }
0x48: {  	[tilespmem:s21], [sflag:$0x1] =	stream.linear.gather [hbm4b:s16+s3], $0x80, $0x38;
	[tilespmem:$0x10500] =	vst v63  }
0x49: {  	v61 =	vld [tilespmem:s14+$0x1];
	_ =	sdelay $0x4  }
0x4a: {  	(v2sf) =	vpush v61, $0x0;
	_ =	sdelay $0xe  }
0x4b: {  	s22 =	spop (v2sf)  }
0x4c: {  	s23 =	sshll.u32 s22, $0xE;
	s16 =	sshll.u32 s22, $0x7  }
0x4d: {  	s17 =	sand.u32 $0xFFFE0000, s23;
	s16 =	sand.u32 $0x380, s16  }
0x4e: {  	s16 =	sor.u32 s17, s16  }
0x4f: {  	s16 =	sor.u32 s15, s16  }
0x50: {  	s16 =	sshrl.u32 s16, $0x3  }
0x51: {  	s24 =	simm.s32 $0x700;
	s16 =	sadd.s32 s0, s16  }
0x52: {  	[tilespmem:s24], [sflag:$0x1] =	stream.linear.gather [hbm4b:s16+s3], $0x80, $0x38;
	[tilespmem:$0x10500] =	vst v63  }
0x53: {  	v62 =	vld [tilespmem:s14+$0x2];
	_ =	sdelay $0x4  }
0x54: {  	(v2sf) =	vpush v62, $0x0;
	_ =	sdelay $0xe  }
0x55: {  	s25 =	spop (v2sf)  }
0x56: {  	s26 =	sshll.u32 s25, $0xE;
	s16 =	sshll.u32 s25, $0x7  }
0x57: {  	s17 =	sand.u32 $0xFFFE0000, s26;
	s16 =	sand.u32 $0x380, s16  }
0x58: {  	s16 =	sor.u32 s17, s16  }
0x59: {  	s16 =	sor.u32 s15, s16  }
0x5a: {  	s16 =	sshrl.u32 s16, $0x3  }
0x5b: {  	s28 =	simm.s32 $0x780;
	s16 =	sadd.s32 s0, s16  }
0x5c: {  	[tilespmem:s28], [sflag:$0x1] =	stream.linear.gather [hbm4b:s16+s3], $0x80, $0x38;
	[tilespmem:$0x10500] =	vst v63  }
0x5d: {  	v63 =	vld [tilespmem:s14+$0x3];
	_ =	sdelay $0x4  }
0x5e: {  	(v2sf) =	vpush v63, $0x0;
	_ =	sdelay $0xe  }
0x5f: {  	s29 =	spop (v2sf)  }
0x60: {  	s30 =	sshll.u32 s29, $0xE;
	s14 =	sshll.u32 s29, $0x7  }
0x61: {  	s16 =	sand.u32 $0xFFFE0000, s30;
	s14 =	sand.u32 $0x380, s14  }
0x62: {  	s16 =	sor.u32 s16, s14  }
0x63: {  	s18 =	simm.s32 $0x800;
	s15 =	sor.u32 s15, s16  }
0x64: {  	s17 =	simm.s32 $0xA80;
	s14 =	simm.s32 $0x0;
	s31 =	sshrl.u32 s15, $0x3  }
0x65: {  	s16 =	simm.s32 $0xC;
	s15 =	simm.s32 $0x40;
	s19 =	sadd.s32 s0, s31  }
.LBB2_2:
0x66: {  	[tilespmem:s18], [sflag:$0x1] =	stream.linear.gather [hbm4b:s19+s3], $0x80, $0x38;
	[tilespmem:$0x10500] =	vst v63  }
0x67: {  	v32 =	vld [tilespmem:s16+$0xFFFFFFFC];
	_ =	sdelay $0x4  }
0x68: {  	(v2sf) =	vpush v32, $0x0;
	_ =	sdelay $0xe  }
0x69: {  	s31 =	spop (v2sf)  }
0x6a: {  	s30 =	rddreg [dreg:$0x5];
	s20 =	sshll.u32 s31, $0xE;
	s19 =	sshll.u32 s31, $0x7  }
0x6b: {  	s21 =	sand.u32 $0xC00, s15;
	s20 =	sand.u32 $0xFFFE0000, s20;
	s19 =	sand.u32 $0x380, s19  }
0x6c: {  	s18 =	sor.u32 s30, s21;
	s19 =	sor.u32 s20, s19  }
0x6d: {  	s19 =	sor.u32 s18, s19  }
0x6e: {  	s19 =	sshrl.u32 s19, $0x3  }
0x6f: {  	s21 =	sadd.s32 $0xFFFFFE00, s17;
	s19 =	sadd.s32 s0, s19  }
0x70: {  	[tilespmem:s21], [sflag:$0x1] =	stream.linear.gather [hbm4b:s19+s3], $0x80, $0x38;
	[tilespmem:$0x10500] =	vst v63  }
0x71: {  	v57 =	vld [tilespmem:s16+$0xFFFFFFFD];
	_ =	sdelay $0x4  }
0x72: {  	(v2sf) =	vpush v57, $0x0;
	_ =	sdelay $0xe  }
0x73: {  	s22 =	spop (v2sf)  }
0x74: {  	s23 =	sshll.u32 s22, $0xE;
	s19 =	sshll.u32 s22, $0x7  }
0x75: {  	s20 =	sand.u32 $0xFFFE0000, s23;
	s19 =	sand.u32 $0x380, s19  }
0x76: {  	s19 =	sor.u32 s20, s19  }
0x77: {  	s19 =	sor.u32 s18, s19  }
0x78: {  	s19 =	sshrl.u32 s19, $0x3  }
0x79: {  	s24 =	sadd.s32 $0xFFFFFE80, s17;
	s19 =	sadd.s32 s0, s19  }
0x7a: {  	[tilespmem:s24], [sflag:$0x1] =	stream.linear.gather [hbm4b:s19+s3], $0x80, $0x38;
	[tilespmem:$0x10500] =	vst v63  }
0x7b: {  	v58 =	vld [tilespmem:s16+$0xFFFFFFFE];
	_ =	sdelay $0x4  }
0x7c: {  	(v2sf) =	vpush v58, $0x0;
	_ =	sdelay $0xe  }
0x7d: {  	s25 =	spop (v2sf)  }
0x7e: {  	s26 =	sshll.u32 s25, $0xE;
	s19 =	sshll.u32 s25, $0x7  }
0x7f: {  	s20 =	sand.u32 $0xFFFE0000, s26;
	s19 =	sand.u32 $0x380, s19  }
0x80: {  	s19 =	sor.u32 s20, s19  }
0x81: {  	s19 =	sor.u32 s18, s19  }
0x82: {  	s19 =	sshrl.u32 s19, $0x3  }
0x83: {  	s28 =	sadd.s32 $0xFFFFFF00, s17;
	s19 =	sadd.s32 s0, s19  }
0x84: {  	[tilespmem:s28], [sflag:$0x1] =	stream.linear.gather [hbm4b:s19+s3], $0x80, $0x38;
	[tilespmem:$0x10500] =	vst v63  }
0x85: {  	v59 =	vld [tilespmem:s16+$0xFFFFFFFF];
	_ =	sdelay $0x4  }
0x86: {  	(v2sf) =	vpush v59, $0x0;
	_ =	sdelay $0xe  }
0x87: {  	s29 =	spop (v2sf)  }
0x88: {  	s30 =	sshll.u32 s29, $0xE;
	s19 =	sshll.u32 s29, $0x7  }
0x89: {  	s20 =	sand.u32 $0xFFFE0000, s30;
	s19 =	sand.u32 $0x380, s19  }
0x8a: {  	s19 =	sor.u32 s20, s19  }
0x8b: {  	s19 =	sor.u32 s18, s19  }
0x8c: {  	s19 =	sshrl.u32 s19, $0x3  }
0x8d: {  	s31 =	sadd.s32 $0xFFFFFF80, s17;
	s19 =	sadd.s32 s0, s19  }
0x8e: {  	[tilespmem:s31], [sflag:$0x1] =	stream.linear.gather [hbm4b:s19+s3], $0x80, $0x38;
	[tilespmem:$0x10500] =	vst v63  }
0x8f: {  	v60 =	vld [tilespmem:s16+$0x0];
	_ =	sdelay $0x4  }
0x90: {  	(v2sf) =	vpush v60, $0x0;
	_ =	sdelay $0xe  }
0x91: {  	s21 =	spop (v2sf)  }
0x92: {  	s22 =	sshll.u32 s21, $0xE;
	s19 =	sshll.u32 s21, $0x7  }
0x93: {  	s20 =	sand.u32 $0xFFFE0000, s22;
	s19 =	sand.u32 $0x380, s19  }
0x94: {  	s19 =	sor.u32 s20, s19  }
0x95: {  	s19 =	sor.u32 s18, s19  }
0x96: {  	s19 =	sshrl.u32 s19, $0x3  }
0x97: {  	s19 =	sadd.s32 s0, s19  }
0x98: {  	[tilespmem:s17], [sflag:$0x1] =	stream.linear.gather [hbm4b:s19+s3], $0x80, $0x38;
	[tilespmem:$0x10500] =	vst v63  }
0x99: {  	v61 =	vld [tilespmem:s16+$0x1];
	_ =	sdelay $0x4  }
0x9a: {  	(v2sf) =	vpush v61, $0x0;
	_ =	sdelay $0xe  }
0x9b: {  	s23 =	spop (v2sf)  }
0x9c: {  	s24 =	sshll.u32 s23, $0xE;
	s19 =	sshll.u32 s23, $0x7  }
0x9d: {  	s20 =	sand.u32 $0xFFFE0000, s24;
	s19 =	sand.u32 $0x380, s19  }
0x9e: {  	s19 =	sor.u32 s20, s19  }
0x9f: {  	s19 =	sor.u32 s18, s19  }
0xa0: {  	s19 =	sshrl.u32 s19, $0x3  }
0xa1: {  	s25 =	sadd.s32 $0x80, s17;
	s19 =	sadd.s32 s0, s19  }
0xa2: {  	[tilespmem:s25], [sflag:$0x1] =	stream.linear.gather [hbm4b:s19+s3], $0x80, $0x38;
	[tilespmem:$0x10500] =	vst v63  }
0xa3: {  	v62 =	vld [tilespmem:s16+$0x2];
	_ =	sdelay $0x4  }
0xa4: {  	(v2sf) =	vpush v62, $0x0;
	_ =	sdelay $0xe  }
0xa5: {  	s26 =	spop (v2sf)  }
0xa6: {  	s28 =	sshll.u32 s26, $0xE;
	s19 =	sshll.u32 s26, $0x7  }
0xa7: {  	s20 =	sand.u32 $0xFFFE0000, s28;
	s19 =	sand.u32 $0x380, s19  }
0xa8: {  	s19 =	sor.u32 s20, s19  }
0xa9: {  	s19 =	sor.u32 s18, s19  }
0xaa: {  	s19 =	sshrl.u32 s19, $0x3  }
0xab: {  	s29 =	sadd.s32 $0x100, s17;
	s19 =	sadd.s32 s0, s19  }
0xac: {  	[tilespmem:s29], [sflag:$0x1] =	stream.linear.gather [hbm4b:s19+s3], $0x80, $0x38;
	[tilespmem:$0x10500] =	vst v63  }
0xad: {  	v63 =	vld [tilespmem:s16+$0x3];
	_ =	sdelay $0x4  }
0xae: {  	(v2sf) =	vpush v63, $0x0;
	_ =	sdelay $0xe  }
0xaf: {  	s14 =	sadd.s32 $0x8, s14;
	s30 =	spop (v2sf)  }
0xb0: {  	p0 =	slt.u32 s14, $0x1F8;
	s31 =	sshll.u32 s30, $0xE;
	s19 =	sshll.u32 s30, $0x7  }
.Ltmp0:
0xb1: {  	s20 =	sand.u32 $0xFFFE0000, s31;
	s19 =	sand.u32 $0x380, s19;
	(pc) =	sbr.rel @p0 .LBB2_2-.Ltmp0, $4  }
0xb2: {  	s19 =	sor.u32 s20, s19  }
0xb3: {  	s18 =	sor.u32 s18, s19  }
0xb4: {  	s15 =	sadd.s32 $0x40, s15;
	s16 =	sadd.s32 $0x8, s16;
	s19 =	sshrl.u32 s18, $0x3  }
0xb5: {  	s18 =	sadd.s32 $0x180, s17;
	s17 =	sadd.s32 $0x400, s17;
	s19 =	sadd.s32 s0, s19  }
0xb6: {  	[tilespmem:s18], [sflag:$0x1] =	stream.linear.gather [hbm4b:s19+s3], $0x80, $0x38;
	[tilespmem:$0x10500] =	vst v63  }
0xb7: {  	_ =	swait.ge [sflag:s10], $0x10000  }
0xb8: {  	[sflag:s10] =	ssyncset.done $0x0  }
0xb9: {  	[sflag:s10] =	ssyncadd.s32 $0xFFFF0000  }
0xba: {  	v32 =	vld.idx.msk [tilespmem:v0+s11+$0x0], $0xffff  }
0xbb: {  	v33 =	vld [tilespmem:$0x280]  }
0xbc: {  	v34 =	vld.idx.msk [tilespmem:v1+s11+$0x0], $0xffff  }
0xbd: {  	v35 =	vld [tilespmem:$0x290]  }
0xbe: {  	v36 =	vld.idx.msk [tilespmem:v2+s11+$0x0], $0xffff  }
0xbf: {  	v37 =	vld [tilespmem:$0x2A0]  }
0xc0: {  	v46 =	vld.idx.msk [tilespmem:v3+s11+$0x0], $0xffff;
	v32 =	vmul.f32 v33, v32  }
0xc1: {  	v38 =	vld [tilespmem:$0x2B0]  }
0xc2: {  	v47 =	vld.idx.msk [tilespmem:v4+s11+$0x0], $0xffff;
	v34 =	vmul.f32 v35, v34;
	v32 =	vadd.f32 $0.0e+00, v32  }
0xc3: {  	v39 =	vld [tilespmem:$0x2C0]  }
0xc4: {  	v49 =	vld.idx.msk [tilespmem:v5+s11+$0x0], $0xffff;
	v48 =	vmul.f32 v37, v36;
	v32 =	vadd.f32 v34, v32  }
0xc5: {  	v50 =	vld [tilespmem:$0x2D0]  }
0xc6: {  	v51 =	vld.idx.msk [tilespmem:v6+s11+$0x0], $0xffff;
	v33 =	vmul.f32 v38, v46;
	v32 =	vadd.f32 v48, v32  }
0xc7: {  	v52 =	vld [tilespmem:$0x2E0]  }
0xc8: {  	v54 =	vld.idx.msk [tilespmem:v7+s11+$0x0], $0xffff;
	v53 =	vmul.f32 v39, v47;
	v32 =	vadd.f32 v33, v32  }
0xc9: {  	v55 =	vld [tilespmem:$0x2F0]  }
0xca: {  	v57 =	vld.idx.msk [tilespmem:v8+s11+$0x0], $0xffff;
	v56 =	vmul.f32 v50, v49;
	v32 =	vadd.f32 v53, v32  }
0xcb: {  	v58 =	vld [tilespmem:$0x300]  }
0xcc: {  	v60 =	vld.idx.msk [tilespmem:v9+s11+$0x0], $0xffff;
	v59 =	vmul.f32 v52, v51;
	v32 =	vadd.f32 v56, v32  }
0xcd: {  	v61 =	vld [tilespmem:$0x310]  }
0xce: {  	v63 =	vld.idx.msk [tilespmem:v10+s11+$0x0], $0xffff;
	v62 =	vmul.f32 v55, v54;
	v32 =	vadd.f32 v59, v32  }
0xcf: {  	v42 =	vld [tilespmem:$0x320]  }
0xd0: {  	v44 =	vld.idx.msk [tilespmem:v11+s11+$0x0], $0xffff;
	v43 =	vmul.f32 v58, v57;
	v32 =	vadd.f32 v62, v32  }
0xd1: {  	v45 =	vld [tilespmem:$0x330]  }
0xd2: {  	v46 =	vmul.f32 v61, v60;
	v47 =	vld.idx.msk [tilespmem:v12+s11+$0x0], $0xffff;
	v32 =	vadd.f32 v43, v32  }
0xd3: {  	v48 =	vld [tilespmem:$0x340]  }
0xd4: {  	v49 =	vmul.f32 v42, v63;
	v50 =	vld.idx.msk [tilespmem:v13+s11+$0x0], $0xffff;
	v32 =	vadd.f32 v46, v32  }
0xd5: {  	v51 =	vld [tilespmem:$0x350]  }
0xd6: {  	v52 =	vmul.f32 v45, v44;
	v54 =	vld [tilespmem:$0x360];
	v32 =	vadd.f32 v49, v32  }
0xd7: {  	v53 =	vld.idx.msk [tilespmem:v14+s11+$0x0], $0xffff  }
0xd8: {  	v57 =	vld [tilespmem:$0x370];
	v55 =	vmul.f32 v48, v47;
	v32 =	vadd.f32 v52, v32  }
0xd9: {  	v56 =	vld.idx.msk [tilespmem:v15+s11+$0x0], $0xffff  }
0xda: {  	v60 =	vld [tilespmem:$0x380];
	v58 =	vmul.f32 v51, v50;
	v32 =	vadd.f32 v55, v32  }
0xdb: {  	v59 =	vld.idx.msk [tilespmem:v16+s11+$0x0], $0xffff  }
0xdc: {  	v63 =	vld [tilespmem:$0x390];
	v61 =	vmul.f32 v54, v53;
	v32 =	vadd.f32 v58, v32  }
0xdd: {  	v62 =	vld.idx.msk [tilespmem:v17+s11+$0x0], $0xffff  }
0xde: {  	v42 =	vld.idx.msk [tilespmem:v18+s11+$0x0], $0xffff;
	v41 =	vmul.f32 v57, v56;
	v32 =	vadd.f32 v61, v32  }
0xdf: {  	v43 =	vld [tilespmem:$0x3A0]  }
0xe0: {  	v45 =	vld.idx.msk [tilespmem:v19+s11+$0x0], $0xffff;
	v44 =	vmul.f32 v60, v59;
	v32 =	vadd.f32 v41, v32  }
0xe1: {  	v46 =	vld [tilespmem:$0x3B0]  }
0xe2: {  	v48 =	vld.idx.msk [tilespmem:v20+s11+$0x0], $0xffff;
	v47 =	vmul.f32 v63, v62;
	v32 =	vadd.f32 v44, v32  }
0xe3: {  	v49 =	vld [tilespmem:$0x3C0]  }
0xe4: {  	v51 =	vld.idx.msk [tilespmem:v21+s11+$0x0], $0xffff;
	v50 =	vmul.f32 v43, v42;
	v32 =	vadd.f32 v47, v32  }
0xe5: {  	v52 =	vld [tilespmem:$0x3D0]  }
0xe6: {  	v54 =	vld.idx.msk [tilespmem:v22+s11+$0x0], $0xffff;
	v53 =	vmul.f32 v46, v45;
	v32 =	vadd.f32 v50, v32  }
0xe7: {  	v55 =	vld [tilespmem:$0x3E0]  }
0xe8: {  	v57 =	vld.idx.msk [tilespmem:v23+s11+$0x0], $0xffff;
	v56 =	vmul.f32 v49, v48;
	v32 =	vadd.f32 v53, v32  }
0xe9: {  	v58 =	vld [tilespmem:$0x3F0]  }
0xea: {  	v60 =	vld.idx.msk [tilespmem:v24+s11+$0x0], $0xffff;
	v59 =	vmul.f32 v52, v51;
	v32 =	vadd.f32 v56, v32  }
0xeb: {  	v61 =	vld [tilespmem:$0x400]  }
0xec: {  	v63 =	vld.idx.msk [tilespmem:v25+s11+$0x0], $0xffff;
	v62 =	vmul.f32 v55, v54;
	v32 =	vadd.f32 v59, v32  }
0xed: {  	v42 =	vld [tilespmem:$0x410]  }
0xee: {  	v45 =	vld [tilespmem:$0x420];
	v43 =	vmul.f32 v58, v57;
	v32 =	vadd.f32 v62, v32  }
0xef: {  	v44 =	vld.idx.msk [tilespmem:v26+s11+$0x0], $0xffff  }
0xf0: {  	v48 =	vld [tilespmem:$0x430];
	v46 =	vmul.f32 v61, v60;
	v32 =	vadd.f32 v43, v32  }
0xf1: {  	v47 =	vld.idx.msk [tilespmem:v27+s11+$0x0], $0xffff  }
0xf2: {  	v49 =	vmul.f32 v42, v63;
	v51 =	vld [tilespmem:$0x440];
	v32 =	vadd.f32 v46, v32  }
0xf3: {  	v50 =	vld.idx.msk [tilespmem:v28+s11+$0x0], $0xffff  }
0xf4: {  	v54 =	vld [tilespmem:$0x450];
	v52 =	vmul.f32 v45, v44;
	v32 =	vadd.f32 v49, v32  }
0xf5: {  	v53 =	vld.idx.msk [tilespmem:v29+s11+$0x0], $0xffff  }
0xf6: {  	v57 =	vld [tilespmem:$0x460];
	v55 =	vmul.f32 v48, v47;
	v32 =	vadd.f32 v52, v32  }
0xf7: {  	v56 =	vld.idx.msk [tilespmem:v30+s11+$0x0], $0xffff  }
0xf8: {  	v60 =	vld [tilespmem:$0x470];
	v58 =	vmul.f32 v51, v50;
	v32 =	vadd.f32 v55, v32  }
0xf9: {  	v59 =	vld.idx.msk [tilespmem:v31+s11+$0x0], $0xffff  }
0xfa: {  	v61 =	vmul.f32 v54, v53;
	v32 =	vadd.f32 v58, v32;
	_ =	sdelay $0x1  }
0xfb: {  	v62 =	vmul.f32 v57, v56;
	v32 =	vadd.f32 v61, v32;
	_ =	sdelay $0x1  }
0xfc: {  	v63 =	vmul.f32 v60, v59;
	v32 =	vadd.f32 v62, v32;
	_ =	sdelay $0x1  }
0xfd: {  	s13 =	sadd.s32 $0x1, s13;
	v32 =	vadd.f32 v63, v32  }
0xfe: {  	p0 =	sne.s32 s13, s7  }
.Ltmp1:
0xff: {  	[tilespmem:$0x10480] =	vst v32;
	(pc) =	sbr.rel @p0 .LBB2_1-.Ltmp1, $4  }
0x100: {  	[hbm4b:s6+s3] =	stream.linear.scatter [tilespmem:s12], [sflag:$0x2], $0x10, $0x38;
	[tilespmem:$0x10500] =	vst v63  }
0x101: {  	_ =	swait.ge [sflag:s8], $0x10  }
0x102: {  	[sflag:s8] =	ssyncset.done $0x0  }
0x103: {  	[sflag:s8] =	ssyncadd.s32 $0xFFFFFFF0  }
0x104: {  	_ =	sfence.sel $0x180000  }
0x105: {  	[bflag:$0x0] =	sbarrier.arrive $0xFFFF  }
0x106: {  	p0 =	sne.s32 s1, $0x0;
	_ =	strace $0x90000047  }
0x107: {  	s0 =	sadd.s32 @!p0 $0x100000, s2;
	[bflag:$0x2] =	sbarrier.arrive $0xFFFF  }
0x108: {  	[sflag:s0] =	ssyncadd.tile.s32 @!p0 $0x1;
	_ =	shalt  }
.Lfunc_end2:
_tile_overlayer_lowered:
.L_overlay_start_2:
0x109: {  	(tag) =	ssettag $0x2  }
0x10a: {  	s0 =	rddreg [dreg:$0x0];
	s2 =	stileid.u32  }
0x10b: {  	s1 =	rddreg [dreg:$0x1];
	p0 =	sne.s32 s2, $0x0  }
0x10c: {  	s3 =	rddreg [dreg:$0x2];
	[bflag:$0x3] =	sbarrier.arrive $0xFFFF;
	s2 =	simm.s32 @!p0 $0x1C02  }
0x10d: {  	[timem:s3], [sflag:s2] =	dma.local @!p0 [hbm:s0], s1  }
0x10e: {  	s0 =	simm.s32 @!p0 $0x2  }
0x10f: {  	_ =	swait.ge @!p0 [sflag:s0], s1  }
0x110: {  	s1 =	ssub.s32 @!p0 $0x0, s1;
	[sflag:s0] =	ssyncset.done @!p0 $0x0  }
0x111: {  	[sflag:s0] =	ssyncadd.s32 @!p0 s1  }
0x112: {  	[bflag:$0x3] =	sbarrier.arrive $0xFFFF  }
0x113: {  	_ =	shalt  }

</sc_bundles>
